<compile_context>
chip_gen: v7x
topology: tpu7x:2x2x1
jax: 0.10.2.dev20260603
libtpu: 0.0.44.dev20260713+nightly
codegen_flags: <defaults>
</compile_context>

<pallas_src>
import functools
import math

import jax
import jax.numpy as jnp
from jax import lax
from jax.experimental import pallas as pl
from jax.experimental.pallas import tpu as pltpu
from jax.experimental.pallas import tpu_sc as plsc

_BS = 64
_SEQ = 200
_D = 128
_VOCAB = 100001
_SCALE = math.sqrt(float(_D))

_NW = 32
_B_TOTAL = _BS * _SEQ
_B_PER_W = _B_TOTAL // _NW
_CHUNK = 100
_NCHUNK = _B_PER_W // _CHUNK


def _gather_sc(table, idx3, pe0):
    mesh = plsc.VectorSubcoreMesh(core_axis_name="c", subcore_axis_name="s")

    @functools.partial(
        pl.kernel,
        mesh=mesh,
        out_type=jax.ShapeDtypeStruct((_B_TOTAL, _D), jnp.float32),
        scratch_types=[
            pltpu.VMEM((_NCHUNK, _CHUNK), jnp.int32),
            pltpu.VMEM((_B_PER_W, _D), jnp.float32),
            pltpu.VMEM((_SEQ, _D), jnp.float32),
            pltpu.SemaphoreType.DMA((_NCHUNK,)),
            pltpu.SemaphoreType.DMA,
        ],
    )
    def k(table_hbm, idx_hbm, pe_hbm, out_hbm, idx_v, rows_v, pe_v, sems, psem):
        wid = lax.axis_index("s") * 2 + lax.axis_index("c")
        base = wid * _B_PER_W
        pltpu.sync_copy(idx_hbm.at[wid], idx_v)
        pe_cp = pltpu.async_copy(pe_hbm, pe_v, psem)
        copies = []
        for j in range(_NCHUNK):
            copies.append(
                pltpu.async_copy(
                    table_hbm.at[idx_v.at[j]],
                    rows_v.at[pl.ds(j * _CHUNK, _CHUNK)],
                    sems.at[j],
                )
            )
        pe_cp.wait()
        for j in range(_NCHUNK):
            copies[j].wait()
            s0 = (j % 2) * _CHUNK

            @plsc.parallel_loop(0, _CHUNK)
            def _rows(i, _j=j, _s0=s0):
                r = _j * _CHUNK + i
                for t in range(_D // 16):
                    lane = pl.ds(16 * t, 16)
                    x = rows_v[r, lane]
                    rows_v[r, lane] = x * _SCALE + pe_v[_s0 + i, lane]

        pltpu.sync_copy(rows_v, out_hbm.at[pl.ds(base, _B_PER_W)])

    return k(table, idx3, pe0)


def _copy_tc(table):
    rows = 16384
    nblk = pl.cdiv(_VOCAB, rows)

    def body(t_ref, o_ref):
        o_ref[...] = t_ref[...]

    return pl.pallas_call(
        body,
        grid=(nblk,),
        in_specs=[pl.BlockSpec((rows, _D), lambda i: (i, 0))],
        out_specs=pl.BlockSpec((rows, _D), lambda i: (i, 0)),
        out_shape=jax.ShapeDtypeStruct((_VOCAB, _D), jnp.float32),
    )(table)


def kernel(src, table, pe):
    idx3 = src.astype(jnp.int32).reshape(_NW, _NCHUNK, _CHUNK)
    pe0 = pe[0, :_SEQ, :]
    embed_nt = _gather_sc(table, idx3, pe0).reshape(_BS, _SEQ, _D)
    embed = jnp.transpose(embed_nt, (0, 2, 1))
    weight_t = _copy_tc(table).T
    return (embed, weight_t)

# --- scband reference (transcript-rebuilt; emitter-appended) ---
"""Pipeline reference for scband-embedding-18279380812455 (READ-ONLY COPY).

The authoritative reference and input builder live on the scoring server;
editing this copy changes nothing except your own understanding.
"""

import math
import jax, jax.numpy as jnp
import numpy as np

BS = 64
NTOKEN = 100000
NINP = 128
SEQ_LEN = 200
MAX_LEN = 5000

def _build_pe(bs, d_model, max_len):
    pe = np.zeros((max_len, d_model), dtype=np.float32)
    position = np.arange(0, max_len, dtype=np.float32)[:, None]
    div_term = np.exp(np.arange(0, d_model, 2).astype(np.float32) * (-math.log(10000.0) / d_model))
    pe[:, 0::2] = np.sin(position * div_term)
    pe[:, 1::2] = np.cos(position * div_term)
    pe = np.stack([pe] * bs, axis=0)
    return jnp.asarray(pe)

def setup_inputs(seed: int = 0) -> dict:
    key = jax.random.key(seed)
    k1, k2 = jax.random.split(key)
    src = jax.random.randint(k1, (BS, SEQ_LEN), 0, NTOKEN + 1, dtype=jnp.int64 if jax.config.jax_enable_x64 else jnp.int32)
    table = jax.random.normal(k2, (NTOKEN + 1, NINP), dtype=jnp.float32)
    pe = _build_pe(BS, NINP, MAX_LEN)
    return {"src": src, "table": table, "pe": pe}

def reference(src, table, pe):
    # embed = self.embedding(src) * sqrt(ninp)
    embed = jnp.take(table, src, axis=0) * math.sqrt(NINP)
    # pos_encoder: x + pe[:x.size(0), :x.size(1), :]  (dropout is identity in eval)
    embed = embed + pe[:embed.shape[0], :embed.shape[1], :]
    # permute(0, 2, 1)
    embed = jnp.transpose(embed, (0, 2, 1))
    # second output: embedding.weight.clone().detach().transpose(0, 1)
    weight_t = jax.lax.stop_gradient(table).T
    return (embed, weight_t)

if __name__ == "__main__":
    import jax
    _d = setup_inputs()
    print(jax.jit(kernel)(*tuple(_d.values())))

</pallas_src>

<mosaic_0001>
#map = affine_map<(d0, d1) -> (0, 0)>
#map1 = affine_map<(d0, d1) -> (0, 0, 0)>
module attributes {stable_mosaic.version = 14 : i64} {
  func.func @k(%arg0: i32, %arg1: i32, %arg2: memref<100001x128xf32, #tpu.memory_space<hbm>>, %arg3: memref<32x4x100xi32, #tpu.memory_space<hbm>>, %arg4: memref<200x128xf32, #tpu.memory_space<hbm>>, %arg5: memref<12800x128xf32, #tpu.memory_space<hbm>>, %arg6: memref<4x100xi32, #tpu.memory_space<vmem>>, %arg7: memref<400x128xf32, #tpu.memory_space<vmem>>, %arg8: memref<200x128xf32, #tpu.memory_space<vmem>>, %arg9: memref<4x!tpu.dma_semaphore, #tpu.memory_space<semaphore_mem>>, %arg10: memref<!tpu.dma_semaphore, #tpu.memory_space<semaphore_mem>>) attributes {dimension_semantics = [#tpu.dimension_semantics<core_parallel>, #tpu.dimension_semantics<subcore_parallel>], iteration_bounds = array<i64: 2, 16>, scalar_prefetch = 0 : i64, scratch_operands = 5 : i64, tpu.core_type = #tpu.core_type<sc_vector_subcore>, window_params = [{transform_indices = #map}, {transform_indices = #map1}, {transform_indices = #map}, {transform_indices = #map}]} {
    %mul3A = arith.constant 2 : i32
    %mul3A_0 = arith.muli %arg1, %mul3A : i32
    %add3A = arith.addi %mul3A_0, %arg0 : i32
    %mul3A_1 = arith.constant 400 : i32
    %mul3A_2 = arith.muli %add3A, %mul3A_1 : i32
    "tpu.region"() ({
      %run_scoped3A = tpu.sem_alloc : memref<!tpu.dma_semaphore, #tpu.memory_space<semaphore_mem>>
      %dma_start3A_116 = arith.constant 0 : i32
      %dma_start3A_117 = arith.constant 0 : i32
      %dma_start3A_118 = tpu.memref_slice %arg3[%add3A, %dma_start3A_116, %dma_start3A_117] : memref<32x4x100xi32, #tpu.memory_space<hbm>> -> memref<1x4x100xi32, #tpu.memory_space<hbm>>
      %dma_start3A_119 = tpu.memref_squeeze %dma_start3A_118 : memref<1x4x100xi32, #tpu.memory_space<hbm>> -> memref<4x100xi32, #tpu.memory_space<hbm>>
      %dma_start3A_120 = arith.constant 0 : i32
      %dma_start3A_121 = arith.constant 0 : i32
      %dma_start3A_122 = tpu.memref_slice %arg3[%add3A, %dma_start3A_120, %dma_start3A_121] : memref<32x4x100xi32, #tpu.memory_space<hbm>> -> memref<1x4x100xi32, #tpu.memory_space<hbm>>
      %dma_start3A_123 = tpu.memref_squeeze %dma_start3A_122 : memref<1x4x100xi32, #tpu.memory_space<hbm>> -> memref<4x100xi32, #tpu.memory_space<hbm>>
      tpu.enqueue_dma source(%dma_start3A_123 : memref<4x100xi32, #tpu.memory_space<hbm>>) target(%arg6 : memref<4x100xi32, #tpu.memory_space<vmem>>) target_semaphore(%run_scoped3A : memref<!tpu.dma_semaphore, #tpu.memory_space<semaphore_mem>>)
      %dma_wait3A_124 = arith.constant 0 : i32
      %dma_wait3A_125 = arith.constant 0 : i32
      %dma_wait3A_126 = tpu.memref_slice %arg3[%add3A, %dma_wait3A_124, %dma_wait3A_125] : memref<32x4x100xi32, #tpu.memory_space<hbm>> -> memref<1x4x100xi32, #tpu.memory_space<hbm>>
      %dma_wait3A_127 = tpu.memref_squeeze %dma_wait3A_126 : memref<1x4x100xi32, #tpu.memory_space<hbm>> -> memref<4x100xi32, #tpu.memory_space<hbm>>
      %dma_wait3A_128 = arith.constant 0 : i32
      %dma_wait3A_129 = arith.constant 0 : i32
      %dma_wait3A_130 = tpu.memref_slice %arg3[%add3A, %dma_wait3A_128, %dma_wait3A_129] : memref<32x4x100xi32, #tpu.memory_space<hbm>> -> memref<1x4x100xi32, #tpu.memory_space<hbm>>
      %dma_wait3A_131 = tpu.memref_squeeze %dma_wait3A_130 : memref<1x4x100xi32, #tpu.memory_space<hbm>> -> memref<4x100xi32, #tpu.memory_space<hbm>>
      tpu.wait_dma2 semaphore(%run_scoped3A : memref<!tpu.dma_semaphore, #tpu.memory_space<semaphore_mem>>) src(%dma_wait3A_131 : memref<4x100xi32, #tpu.memory_space<hbm>>) dst(%arg6 : memref<4x100xi32, #tpu.memory_space<vmem>>)
      tpu.yield
    }) : () -> ()
    tpu.enqueue_dma source(%arg4 : memref<200x128xf32, #tpu.memory_space<hbm>>) target(%arg8 : memref<200x128xf32, #tpu.memory_space<vmem>>) target_semaphore(%arg10 : memref<!tpu.dma_semaphore, #tpu.memory_space<semaphore_mem>>)
    %dma_start3A = arith.constant 0 : i32
    %dma_start3A_3 = arith.constant 0 : i32
    %dma_start3A_4 = arith.constant 0 : i32
    %dma_start3A_5 = arith.constant 0 : i32
    %dma_start3A_6 = tpu.memref_slice %arg7[%dma_start3A_4, %dma_start3A_5] : memref<400x128xf32, #tpu.memory_space<vmem>> -> memref<100x128xf32, #tpu.memory_space<vmem>>
    %dma_start3A_7 = arith.constant 0 : i32
    %dma_start3A_8 = tpu.memref_slice %arg6[%dma_start3A, %dma_start3A_7] : memref<4x100xi32, #tpu.memory_space<vmem>> -> memref<1x100xi32, #tpu.memory_space<vmem>>
    %dma_start3A_9 = tpu.memref_squeeze %dma_start3A_8 : memref<1x100xi32, #tpu.memory_space<vmem>> -> memref<100xi32, #tpu.memory_space<vmem>>
    %dma_start3A_10 = arith.constant 0 : i32
    %dma_start3A_11 = arith.constant 0 : i32
    %dma_start3A_12 = tpu.memref_slice %arg2[%dma_start3A_10, %dma_start3A_11] : memref<100001x128xf32, #tpu.memory_space<hbm>> -> memref<100001x128xf32, #tpu.memory_space<hbm>>
    %dma_start3A_13 = tpu.memref_slice %arg9[%dma_start3A_3] : memref<4x!tpu.dma_semaphore, #tpu.memory_space<semaphore_mem>> -> memref<1x!tpu.dma_semaphore, #tpu.memory_space<semaphore_mem>>
    %dma_start3A_14 = tpu.memref_squeeze %dma_start3A_13 : memref<1x!tpu.dma_semaphore, #tpu.memory_space<semaphore_mem>> -> memref<!tpu.dma_semaphore, #tpu.memory_space<semaphore_mem>>
    tpu.enqueue_indirect_dma source(%dma_start3A_12 : memref<100001x128xf32, #tpu.memory_space<hbm>>) target(%dma_start3A_6 : memref<100x128xf32, #tpu.memory_space<vmem>>) offsets(%dma_start3A_9 : memref<100xi32, #tpu.memory_space<vmem>>) semaphore(%dma_start3A_14 : memref<!tpu.dma_semaphore, #tpu.memory_space<semaphore_mem>>)
    %dma_start3A_15 = arith.constant 1 : i32
    %dma_start3A_16 = arith.constant 1 : i32
    %dma_start3A_17 = arith.constant 100 : i32
    %dma_start3A_18 = arith.constant 0 : i32
    %dma_start3A_19 = tpu.memref_slice %arg7[%dma_start3A_17, %dma_start3A_18] : memref<400x128xf32, #tpu.memory_space<vmem>> -> memref<100x128xf32, #tpu.memory_space<vmem>>
    %dma_start3A_20 = arith.constant 0 : i32
    %dma_start3A_21 = tpu.memref_slice %arg6[%dma_start3A_15, %dma_start3A_20] : memref<4x100xi32, #tpu.memory_space<vmem>> -> memref<1x100xi32, #tpu.memory_space<vmem>>
    %dma_start3A_22 = tpu.memref_squeeze %dma_start3A_21 : memref<1x100xi32, #tpu.memory_space<vmem>> -> memref<100xi32, #tpu.memory_space<vmem>>
    %dma_start3A_23 = arith.constant 0 : i32
    %dma_start3A_24 = arith.constant 0 : i32
    %dma_start3A_25 = tpu.memref_slice %arg2[%dma_start3A_23, %dma_start3A_24] : memref<100001x128xf32, #tpu.memory_space<hbm>> -> memref<100001x128xf32, #tpu.memory_space<hbm>>
    %dma_start3A_26 = tpu.memref_slice %arg9[%dma_start3A_16] : memref<4x!tpu.dma_semaphore, #tpu.memory_space<semaphore_mem>> -> memref<1x!tpu.dma_semaphore, #tpu.memory_space<semaphore_mem>>
    %dma_start3A_27 = tpu.memref_squeeze %dma_start3A_26 : memref<1x!tpu.dma_semaphore, #tpu.memory_space<semaphore_mem>> -> memref<!tpu.dma_semaphore, #tpu.memory_space<semaphore_mem>>
    tpu.enqueue_indirect_dma source(%dma_start3A_25 : memref<100001x128xf32, #tpu.memory_space<hbm>>) target(%dma_start3A_19 : memref<100x128xf32, #tpu.memory_space<vmem>>) offsets(%dma_start3A_22 : memref<100xi32, #tpu.memory_space<vmem>>) semaphore(%dma_start3A_27 : memref<!tpu.dma_semaphore, #tpu.memory_space<semaphore_mem>>)
    %dma_start3A_28 = arith.constant 2 : i32
    %dma_start3A_29 = arith.constant 2 : i32
    %dma_start3A_30 = arith.constant 200 : i32
    %dma_start3A_31 = arith.constant 0 : i32
    %dma_start3A_32 = tpu.memref_slice %arg7[%dma_start3A_30, %dma_start3A_31] : memref<400x128xf32, #tpu.memory_space<vmem>> -> memref<100x128xf32, #tpu.memory_space<vmem>>
    %dma_start3A_33 = arith.constant 0 : i32
    %dma_start3A_34 = tpu.memref_slice %arg6[%dma_start3A_28, %dma_start3A_33] : memref<4x100xi32, #tpu.memory_space<vmem>> -> memref<1x100xi32, #tpu.memory_space<vmem>>
    %dma_start3A_35 = tpu.memref_squeeze %dma_start3A_34 : memref<1x100xi32, #tpu.memory_space<vmem>> -> memref<100xi32, #tpu.memory_space<vmem>>
    %dma_start3A_36 = arith.constant 0 : i32
    %dma_start3A_37 = arith.constant 0 : i32
    %dma_start3A_38 = tpu.memref_slice %arg2[%dma_start3A_36, %dma_start3A_37] : memref<100001x128xf32, #tpu.memory_space<hbm>> -> memref<100001x128xf32, #tpu.memory_space<hbm>>
    %dma_start3A_39 = tpu.memref_slice %arg9[%dma_start3A_29] : memref<4x!tpu.dma_semaphore, #tpu.memory_space<semaphore_mem>> -> memref<1x!tpu.dma_semaphore, #tpu.memory_space<semaphore_mem>>
    %dma_start3A_40 = tpu.memref_squeeze %dma_start3A_39 : memref<1x!tpu.dma_semaphore, #tpu.memory_space<semaphore_mem>> -> memref<!tpu.dma_semaphore, #tpu.memory_space<semaphore_mem>>
    tpu.enqueue_indirect_dma source(%dma_start3A_38 : memref<100001x128xf32, #tpu.memory_space<hbm>>) target(%dma_start3A_32 : memref<100x128xf32, #tpu.memory_space<vmem>>) offsets(%dma_start3A_35 : memref<100xi32, #tpu.memory_space<vmem>>) semaphore(%dma_start3A_40 : memref<!tpu.dma_semaphore, #tpu.memory_space<semaphore_mem>>)
    %dma_start3A_41 = arith.constant 3 : i32
    %dma_start3A_42 = arith.constant 3 : i32
    %dma_start3A_43 = arith.constant 300 : i32
    %dma_start3A_44 = arith.constant 0 : i32
    %dma_start3A_45 = tpu.memref_slice %arg7[%dma_start3A_43, %dma_start3A_44] : memref<400x128xf32, #tpu.memory_space<vmem>> -> memref<100x128xf32, #tpu.memory_space<vmem>>
    %dma_start3A_46 = arith.constant 0 : i32
    %dma_start3A_47 = tpu.memref_slice %arg6[%dma_start3A_41, %dma_start3A_46] : memref<4x100xi32, #tpu.memory_space<vmem>> -> memref<1x100xi32, #tpu.memory_space<vmem>>
    %dma_start3A_48 = tpu.memref_squeeze %dma_start3A_47 : memref<1x100xi32, #tpu.memory_space<vmem>> -> memref<100xi32, #tpu.memory_space<vmem>>
    %dma_start3A_49 = arith.constant 0 : i32
    %dma_start3A_50 = arith.constant 0 : i32
    %dma_start3A_51 = tpu.memref_slice %arg2[%dma_start3A_49, %dma_start3A_50] : memref<100001x128xf32, #tpu.memory_space<hbm>> -> memref<100001x128xf32, #tpu.memory_space<hbm>>
    %dma_start3A_52 = tpu.memref_slice %arg9[%dma_start3A_42] : memref<4x!tpu.dma_semaphore, #tpu.memory_space<semaphore_mem>> -> memref<1x!tpu.dma_semaphore, #tpu.memory_space<semaphore_mem>>
    %dma_start3A_53 = tpu.memref_squeeze %dma_start3A_52 : memref<1x!tpu.dma_semaphore, #tpu.memory_space<semaphore_mem>> -> memref<!tpu.dma_semaphore, #tpu.memory_space<semaphore_mem>>
    tpu.enqueue_indirect_dma source(%dma_start3A_51 : memref<100001x128xf32, #tpu.memory_space<hbm>>) target(%dma_start3A_45 : memref<100x128xf32, #tpu.memory_space<vmem>>) offsets(%dma_start3A_48 : memref<100xi32, #tpu.memory_space<vmem>>) semaphore(%dma_start3A_53 : memref<!tpu.dma_semaphore, #tpu.memory_space<semaphore_mem>>)
    tpu.wait_dma2 semaphore(%arg10 : memref<!tpu.dma_semaphore, #tpu.memory_space<semaphore_mem>>) src(%arg4 : memref<200x128xf32, #tpu.memory_space<hbm>>) dst(%arg8 : memref<200x128xf32, #tpu.memory_space<vmem>>)
    %dma_wait3A = arith.constant 0 : i32
    %dma_wait3A_54 = arith.constant 0 : i32
    %dma_wait3A_55 = arith.constant 0 : i32
    %dma_wait3A_56 = arith.constant 0 : i32
    %dma_wait3A_57 = tpu.memref_slice %arg7[%dma_wait3A_55, %dma_wait3A_56] : memref<400x128xf32, #tpu.memory_space<vmem>> -> memref<100x128xf32, #tpu.memory_space<vmem>>
    %dma_wait3A_58 = arith.constant 0 : i32
    %dma_wait3A_59 = tpu.memref_slice %arg6[%dma_wait3A, %dma_wait3A_58] : memref<4x100xi32, #tpu.memory_space<vmem>> -> memref<1x100xi32, #tpu.memory_space<vmem>>
    %dma_wait3A_60 = tpu.memref_squeeze %dma_wait3A_59 : memref<1x100xi32, #tpu.memory_space<vmem>> -> memref<100xi32, #tpu.memory_space<vmem>>
    %dma_wait3A_61 = arith.constant 0 : i32
    %dma_wait3A_62 = arith.constant 0 : i32
    %dma_wait3A_63 = tpu.memref_slice %arg2[%dma_wait3A_61, %dma_wait3A_62] : memref<100001x128xf32, #tpu.memory_space<hbm>> -> memref<100001x128xf32, #tpu.memory_space<hbm>>
    %dma_wait3A_64 = tpu.memref_slice %arg9[%dma_wait3A_54] : memref<4x!tpu.dma_semaphore, #tpu.memory_space<semaphore_mem>> -> memref<1x!tpu.dma_semaphore, #tpu.memory_space<semaphore_mem>>
    %dma_wait3A_65 = tpu.memref_squeeze %dma_wait3A_64 : memref<1x!tpu.dma_semaphore, #tpu.memory_space<semaphore_mem>> -> memref<!tpu.dma_semaphore, #tpu.memory_space<semaphore_mem>>
    tpu.wait_indirect_dma semaphore(%dma_wait3A_65 : memref<!tpu.dma_semaphore, #tpu.memory_space<semaphore_mem>>) src(%dma_wait3A_63 : memref<100001x128xf32, #tpu.memory_space<hbm>>) dst(%dma_wait3A_57 : memref<100x128xf32, #tpu.memory_space<vmem>>)
    %parallel_loop3A = arith.constant 0 : i32
    %parallel_loop3A_66 = arith.constant 100 : i32
    %parallel_loop3A_67 = arith.constant 1 : i32
    scf.for %parallel_loop3A_116 = %parallel_loop3A to %parallel_loop3A_66 step %parallel_loop3A_67  : i32 {
      %parallel_loop3A_117 = arith.constant 0 : i32
      %parallel_loop3A_118 = arith.addi %parallel_loop3A_117, %parallel_loop3A_116 : i32
      %parallel_loop3A_119 = arith.index_cast %parallel_loop3A_118 : i32 to index
      %parallel_loop3A_120 = arith.constant 0 : index
      %parallel_loop3A_121 = tpu.vector_load %arg7[%parallel_loop3A_119, %parallel_loop3A_120] {strides = array<i32>} : memref<400x128xf32, #tpu.memory_space<vmem>>, vector<1x16xf32>,
      %parallel_loop3A_122 = vector.shape_cast %parallel_loop3A_121 : vector<1x16xf32> to vector<16xf32>
      %parallel_loop3A_123 = arith.constant 11.3137083 : f32
      %parallel_loop3A_124 = vector.broadcast %parallel_loop3A_123 : f32 to vector<16xf32>
      %parallel_loop3A_125 = arith.mulf %parallel_loop3A_122, %parallel_loop3A_124 : vector<16xf32>
      %parallel_loop3A_126 = arith.constant 0 : i32
      %parallel_loop3A_127 = arith.addi %parallel_loop3A_126, %parallel_loop3A_116 : i32
      %parallel_loop3A_128 = arith.index_cast %parallel_loop3A_127 : i32 to index
      %parallel_loop3A_129 = arith.constant 0 : index
      %parallel_loop3A_130 = tpu.vector_load %arg8[%parallel_loop3A_128, %parallel_loop3A_129] {strides = array<i32>} : memref<200x128xf32, #tpu.memory_space<vmem>>, vector<1x16xf32>,
      %parallel_loop3A_131 = vector.shape_cast %parallel_loop3A_130 : vector<1x16xf32> to vector<16xf32>
      %parallel_loop3A_132 = arith.addf %parallel_loop3A_125, %parallel_loop3A_131 : vector<16xf32>
      %parallel_loop3A_133 = arith.index_cast %parallel_loop3A_118 : i32 to index
      %parallel_loop3A_134 = arith.constant 0 : index
      %parallel_loop3A_135 = tpu.vector_load %arg7[%parallel_loop3A_133, %parallel_loop3A_134] {strides = array<i32>} : memref<400x128xf32, #tpu.memory_space<vmem>>, vector<1x16xf32>,
      %parallel_loop3A_136 = vector.shape_cast %parallel_loop3A_135 : vector<1x16xf32> to vector<16xf32>
      %parallel_loop3A_137 = vector.shape_cast %parallel_loop3A_132 : vector<16xf32> to vector<1x16xf32>
      tpu.vector_store %arg7[%parallel_loop3A_133, %parallel_loop3A_134], %parallel_loop3A_137 {strides = array<i32>} : memref<400x128xf32, #tpu.memory_space<vmem>>, vector<1x16xf32>,
      %parallel_loop3A_138 = arith.index_cast %parallel_loop3A_118 : i32 to index
      %parallel_loop3A_139 = arith.constant 16 : index
      %parallel_loop3A_140 = tpu.vector_load %arg7[%parallel_loop3A_138, %parallel_loop3A_139] {strides = array<i32>} : memref<400x128xf32, #tpu.memory_space<vmem>>, vector<1x16xf32>,
      %parallel_loop3A_141 = vector.shape_cast %parallel_loop3A_140 : vector<1x16xf32> to vector<16xf32>
      %parallel_loop3A_142 = arith.constant 11.3137083 : f32
      %parallel_loop3A_143 = vector.broadcast %parallel_loop3A_142 : f32 to vector<16xf32>
      %parallel_loop3A_144 = arith.mulf %parallel_loop3A_141, %parallel_loop3A_143 : vector<16xf32>
      %parallel_loop3A_145 = arith.constant 0 : i32
      %parallel_loop3A_146 = arith.addi %parallel_loop3A_145, %parallel_loop3A_116 : i32
      %parallel_loop3A_147 = arith.index_cast %parallel_loop3A_146 : i32 to index
      %parallel_loop3A_148 = arith.constant 16 : index
      %parallel_loop3A_149 = tpu.vector_load %arg8[%parallel_loop3A_147, %parallel_loop3A_148] {strides = array<i32>} : memref<200x128xf32, #tpu.memory_space<vmem>>, vector<1x16xf32>,
      %parallel_loop3A_150 = vector.shape_cast %parallel_loop3A_149 : vector<1x16xf32> to vector<16xf32>
      %parallel_loop3A_151 = arith.addf %parallel_loop3A_144, %parallel_loop3A_150 : vector<16xf32>
      %parallel_loop3A_152 = arith.index_cast %parallel_loop3A_118 : i32 to index
      %parallel_loop3A_153 = arith.constant 16 : index
      %parallel_loop3A_154 = tpu.vector_load %arg7[%parallel_loop3A_152, %parallel_loop3A_153] {strides = array<i32>} : memref<400x128xf32, #tpu.memory_space<vmem>>, vector<1x16xf32>,
      %parallel_loop3A_155 = vector.shape_cast %parallel_loop3A_154 : vector<1x16xf32> to vector<16xf32>
      %parallel_loop3A_156 = vector.shape_cast %parallel_loop3A_151 : vector<16xf32> to vector<1x16xf32>
      tpu.vector_store %arg7[%parallel_loop3A_152, %parallel_loop3A_153], %parallel_loop3A_156 {strides = array<i32>} : memref<400x128xf32, #tpu.memory_space<vmem>>, vector<1x16xf32>,
      %parallel_loop3A_157 = arith.index_cast %parallel_loop3A_118 : i32 to index
      %parallel_loop3A_158 = arith.constant 32 : index
      %parallel_loop3A_159 = tpu.vector_load %arg7[%parallel_loop3A_157, %parallel_loop3A_158] {strides = array<i32>} : memref<400x128xf32, #tpu.memory_space<vmem>>, vector<1x16xf32>,
      %parallel_loop3A_160 = vector.shape_cast %parallel_loop3A_159 : vector<1x16xf32> to vector<16xf32>
      %parallel_loop3A_161 = arith.constant 11.3137083 : f32
      %parallel_loop3A_162 = vector.broadcast %parallel_loop3A_161 : f32 to vector<16xf32>
      %parallel_loop3A_163 = arith.mulf %parallel_loop3A_160, %parallel_loop3A_162 : vector<16xf32>
      %parallel_loop3A_164 = arith.constant 0 : i32
      %parallel_loop3A_165 = arith.addi %parallel_loop3A_164, %parallel_loop3A_116 : i32
      %parallel_loop3A_166 = arith.index_cast %parallel_loop3A_165 : i32 to index
      %parallel_loop3A_167 = arith.constant 32 : index
      %parallel_loop3A_168 = tpu.vector_load %arg8[%parallel_loop3A_166, %parallel_loop3A_167] {strides = array<i32>} : memref<200x128xf32, #tpu.memory_space<vmem>>, vector<1x16xf32>,
      %parallel_loop3A_169 = vector.shape_cast %parallel_loop3A_168 : vector<1x16xf32> to vector<16xf32>
      %parallel_loop3A_170 = arith.addf %parallel_loop3A_163, %parallel_loop3A_169 : vector<16xf32>
      %parallel_loop3A_171 = arith.index_cast %parallel_loop3A_118 : i32 to index
      %parallel_loop3A_172 = arith.constant 32 : index
      %parallel_loop3A_173 = tpu.vector_load %arg7[%parallel_loop3A_171, %parallel_loop3A_172] {strides = array<i32>} : memref<400x128xf32, #tpu.memory_space<vmem>>, vector<1x16xf32>,
      %parallel_loop3A_174 = vector.shape_cast %parallel_loop3A_173 : vector<1x16xf32> to vector<16xf32>
      %parallel_loop3A_175 = vector.shape_cast %parallel_loop3A_170 : vector<16xf32> to vector<1x16xf32>
      tpu.vector_store %arg7[%parallel_loop3A_171, %parallel_loop3A_172], %parallel_loop3A_175 {strides = array<i32>} : memref<400x128xf32, #tpu.memory_space<vmem>>, vector<1x16xf32>,
      %parallel_loop3A_176 = arith.index_cast %parallel_loop3A_118 : i32 to index
      %parallel_loop3A_177 = arith.constant 48 : index
      %parallel_loop3A_178 = tpu.vector_load %arg7[%parallel_loop3A_176, %parallel_loop3A_177] {strides = array<i32>} : memref<400x128xf32, #tpu.memory_space<vmem>>, vector<1x16xf32>,
      %parallel_loop3A_179 = vector.shape_cast %parallel_loop3A_178 : vector<1x16xf32> to vector<16xf32>
      %parallel_loop3A_180 = arith.constant 11.3137083 : f32
      %parallel_loop3A_181 = vector.broadcast %parallel_loop3A_180 : f32 to vector<16xf32>
      %parallel_loop3A_182 = arith.mulf %parallel_loop3A_179, %parallel_loop3A_181 : vector<16xf32>
      %parallel_loop3A_183 = arith.constant 0 : i32
      %parallel_loop3A_184 = arith.addi %parallel_loop3A_183, %parallel_loop3A_116 : i32
      %parallel_loop3A_185 = arith.index_cast %parallel_loop3A_184 : i32 to index
      %parallel_loop3A_186 = arith.constant 48 : index
      %parallel_loop3A_187 = tpu.vector_load %arg8[%parallel_loop3A_185, %parallel_loop3A_186] {strides = array<i32>} : memref<200x128xf32, #tpu.memory_space<vmem>>, vector<1x16xf32>,
      %parallel_loop3A_188 = vector.shape_cast %parallel_loop3A_187 : vector<1x16xf32> to vector<16xf32>
      %parallel_loop3A_189 = arith.addf %parallel_loop3A_182, %parallel_loop3A_188 : vector<16xf32>
      %parallel_loop3A_190 = arith.index_cast %parallel_loop3A_118 : i32 to index
      %parallel_loop3A_191 = arith.constant 48 : index
      %parallel_loop3A_192 = tpu.vector_load %arg7[%parallel_loop3A_190, %parallel_loop3A_191] {strides = array<i32>} : memref<400x128xf32, #tpu.memory_space<vmem>>, vector<1x16xf32>,
      %parallel_loop3A_193 = vector.shape_cast %parallel_loop3A_192 : vector<1x16xf32> to vector<16xf32>
      %parallel_loop3A_194 = vector.shape_cast %parallel_loop3A_189 : vector<16xf32> to vector<1x16xf32>
      tpu.vector_store %arg7[%parallel_loop3A_190, %parallel_loop3A_191], %parallel_loop3A_194 {strides = array<i32>} : memref<400x128xf32, #tpu.memory_space<vmem>>, vector<1x16xf32>,
      %parallel_loop3A_195 = arith.index_cast %parallel_loop3A_118 : i32 to index
      %parallel_loop3A_196 = arith.constant 64 : index
      %parallel_loop3A_197 = tpu.vector_load %arg7[%parallel_loop3A_195, %parallel_loop3A_196] {strides = array<i32>} : memref<400x128xf32, #tpu.memory_space<vmem>>, vector<1x16xf32>,
      %parallel_loop3A_198 = vector.shape_cast %parallel_loop3A_197 : vector<1x16xf32> to vector<16xf32>
      %parallel_loop3A_199 = arith.constant 11.3137083 : f32
      %parallel_loop3A_200 = vector.broadcast %parallel_loop3A_199 : f32 to vector<16xf32>
      %parallel_loop3A_201 = arith.mulf %parallel_loop3A_198, %parallel_loop3A_200 : vector<16xf32>
      %parallel_loop3A_202 = arith.constant 0 : i32
      %parallel_loop3A_203 = arith.addi %parallel_loop3A_202, %parallel_loop3A_116 : i32
      %parallel_loop3A_204 = arith.index_cast %parallel_loop3A_203 : i32 to index
      %parallel_loop3A_205 = arith.constant 64 : index
      %parallel_loop3A_206 = tpu.vector_load %arg8[%parallel_loop3A_204, %parallel_loop3A_205] {strides = array<i32>} : memref<200x128xf32, #tpu.memory_space<vmem>>, vector<1x16xf32>,
      %parallel_loop3A_207 = vector.shape_cast %parallel_loop3A_206 : vector<1x16xf32> to vector<16xf32>
      %parallel_loop3A_208 = arith.addf %parallel_loop3A_201, %parallel_loop3A_207 : vector<16xf32>
      %parallel_loop3A_209 = arith.index_cast %parallel_loop3A_118 : i32 to index
      %parallel_loop3A_210 = arith.constant 64 : index
      %parallel_loop3A_211 = tpu.vector_load %arg7[%parallel_loop3A_209, %parallel_loop3A_210] {strides = array<i32>} : memref<400x128xf32, #tpu.memory_space<vmem>>, vector<1x16xf32>,
      %parallel_loop3A_212 = vector.shape_cast %parallel_loop3A_211 : vector<1x16xf32> to vector<16xf32>
      %parallel_loop3A_213 = vector.shape_cast %parallel_loop3A_208 : vector<16xf32> to vector<1x16xf32>
      tpu.vector_store %arg7[%parallel_loop3A_209, %parallel_loop3A_210], %parallel_loop3A_213 {strides = array<i32>} : memref<400x128xf32, #tpu.memory_space<vmem>>, vector<1x16xf32>,
      %parallel_loop3A_214 = arith.index_cast %parallel_loop3A_118 : i32 to index
      %parallel_loop3A_215 = arith.constant 80 : index
      %parallel_loop3A_216 = tpu.vector_load %arg7[%parallel_loop3A_214, %parallel_loop3A_215] {strides = array<i32>} : memref<400x128xf32, #tpu.memory_space<vmem>>, vector<1x16xf32>,
      %parallel_loop3A_217 = vector.shape_cast %parallel_loop3A_216 : vector<1x16xf32> to vector<16xf32>
      %parallel_loop3A_218 = arith.constant 11.3137083 : f32
      %parallel_loop3A_219 = vector.broadcast %parallel_loop3A_218 : f32 to vector<16xf32>
      %parallel_loop3A_220 = arith.mulf %parallel_loop3A_217, %parallel_loop3A_219 : vector<16xf32>
      %parallel_loop3A_221 = arith.constant 0 : i32
      %parallel_loop3A_222 = arith.addi %parallel_loop3A_221, %parallel_loop3A_116 : i32
      %parallel_loop3A_223 = arith.index_cast %parallel_loop3A_222 : i32 to index
      %parallel_loop3A_224 = arith.constant 80 : index
      %parallel_loop3A_225 = tpu.vector_load %arg8[%parallel_loop3A_223, %parallel_loop3A_224] {strides = array<i32>} : memref<200x128xf32, #tpu.memory_space<vmem>>, vector<1x16xf32>,
      %parallel_loop3A_226 = vector.shape_cast %parallel_loop3A_225 : vector<1x16xf32> to vector<16xf32>
      %parallel_loop3A_227 = arith.addf %parallel_loop3A_220, %parallel_loop3A_226 : vector<16xf32>
      %parallel_loop3A_228 = arith.index_cast %parallel_loop3A_118 : i32 to index
      %parallel_loop3A_229 = arith.constant 80 : index
      %parallel_loop3A_230 = tpu.vector_load %arg7[%parallel_loop3A_228, %parallel_loop3A_229] {strides = array<i32>} : memref<400x128xf32, #tpu.memory_space<vmem>>, vector<1x16xf32>,
      %parallel_loop3A_231 = vector.shape_cast %parallel_loop3A_230 : vector<1x16xf32> to vector<16xf32>
      %parallel_loop3A_232 = vector.shape_cast %parallel_loop3A_227 : vector<16xf32> to vector<1x16xf32>
      tpu.vector_store %arg7[%parallel_loop3A_228, %parallel_loop3A_229], %parallel_loop3A_232 {strides = array<i32>} : memref<400x128xf32, #tpu.memory_space<vmem>>, vector<1x16xf32>,
      %parallel_loop3A_233 = arith.index_cast %parallel_loop3A_118 : i32 to index
      %parallel_loop3A_234 = arith.constant 96 : index
      %parallel_loop3A_235 = tpu.vector_load %arg7[%parallel_loop3A_233, %parallel_loop3A_234] {strides = array<i32>} : memref<400x128xf32, #tpu.memory_space<vmem>>, vector<1x16xf32>,
      %parallel_loop3A_236 = vector.shape_cast %parallel_loop3A_235 : vector<1x16xf32> to vector<16xf32>
      %parallel_loop3A_237 = arith.constant 11.3137083 : f32
      %parallel_loop3A_238 = vector.broadcast %parallel_loop3A_237 : f32 to vector<16xf32>
      %parallel_loop3A_239 = arith.mulf %parallel_loop3A_236, %parallel_loop3A_238 : vector<16xf32>
      %parallel_loop3A_240 = arith.constant 0 : i32
      %parallel_loop3A_241 = arith.addi %parallel_loop3A_240, %parallel_loop3A_116 : i32
      %parallel_loop3A_242 = arith.index_cast %parallel_loop3A_241 : i32 to index
      %parallel_loop3A_243 = arith.constant 96 : index
      %parallel_loop3A_244 = tpu.vector_load %arg8[%parallel_loop3A_242, %parallel_loop3A_243] {strides = array<i32>} : memref<200x128xf32, #tpu.memory_space<vmem>>, vector<1x16xf32>,
      %parallel_loop3A_245 = vector.shape_cast %parallel_loop3A_244 : vector<1x16xf32> to vector<16xf32>
      %parallel_loop3A_246 = arith.addf %parallel_loop3A_239, %parallel_loop3A_245 : vector<16xf32>
      %parallel_loop3A_247 = arith.index_cast %parallel_loop3A_118 : i32 to index
      %parallel_loop3A_248 = arith.constant 96 : index
      %parallel_loop3A_249 = tpu.vector_load %arg7[%parallel_loop3A_247, %parallel_loop3A_248] {strides = array<i32>} : memref<400x128xf32, #tpu.memory_space<vmem>>, vector<1x16xf32>,
      %parallel_loop3A_250 = vector.shape_cast %parallel_loop3A_249 : vector<1x16xf32> to vector<16xf32>
      %parallel_loop3A_251 = vector.shape_cast %parallel_loop3A_246 : vector<16xf32> to vector<1x16xf32>
      tpu.vector_store %arg7[%parallel_loop3A_247, %parallel_loop3A_248], %parallel_loop3A_251 {strides = array<i32>} : memref<400x128xf32, #tpu.memory_space<vmem>>, vector<1x16xf32>,
      %parallel_loop3A_252 = arith.index_cast %parallel_loop3A_118 : i32 to index
      %parallel_loop3A_253 = arith.constant 112 : index
      %parallel_loop3A_254 = tpu.vector_load %arg7[%parallel_loop3A_252, %parallel_loop3A_253] {strides = array<i32>} : memref<400x128xf32, #tpu.memory_space<vmem>>, vector<1x16xf32>,
      %parallel_loop3A_255 = vector.shape_cast %parallel_loop3A_254 : vector<1x16xf32> to vector<16xf32>
      %parallel_loop3A_256 = arith.constant 11.3137083 : f32
      %parallel_loop3A_257 = vector.broadcast %parallel_loop3A_256 : f32 to vector<16xf32>
      %parallel_loop3A_258 = arith.mulf %parallel_loop3A_255, %parallel_loop3A_257 : vector<16xf32>
      %parallel_loop3A_259 = arith.constant 0 : i32
      %parallel_loop3A_260 = arith.addi %parallel_loop3A_259, %parallel_loop3A_116 : i32
      %parallel_loop3A_261 = arith.index_cast %parallel_loop3A_260 : i32 to index
      %parallel_loop3A_262 = arith.constant 112 : index
      %parallel_loop3A_263 = tpu.vector_load %arg8[%parallel_loop3A_261, %parallel_loop3A_262] {strides = array<i32>} : memref<200x128xf32, #tpu.memory_space<vmem>>, vector<1x16xf32>,
      %parallel_loop3A_264 = vector.shape_cast %parallel_loop3A_263 : vector<1x16xf32> to vector<16xf32>
      %parallel_loop3A_265 = arith.addf %parallel_loop3A_258, %parallel_loop3A_264 : vector<16xf32>
      %parallel_loop3A_266 = arith.index_cast %parallel_loop3A_118 : i32 to index
      %parallel_loop3A_267 = arith.constant 112 : index
      %parallel_loop3A_268 = tpu.vector_load %arg7[%parallel_loop3A_266, %parallel_loop3A_267] {strides = array<i32>} : memref<400x128xf32, #tpu.memory_space<vmem>>, vector<1x16xf32>,
      %parallel_loop3A_269 = vector.shape_cast %parallel_loop3A_268 : vector<1x16xf32> to vector<16xf32>
      %parallel_loop3A_270 = vector.shape_cast %parallel_loop3A_265 : vector<16xf32> to vector<1x16xf32>
      tpu.vector_store %arg7[%parallel_loop3A_266, %parallel_loop3A_267], %parallel_loop3A_270 {strides = array<i32>} : memref<400x128xf32, #tpu.memory_space<vmem>>, vector<1x16xf32>,
    } {sc.loop_unroll_factor = 1 : i64, sc.parallel_access}
    %dma_wait3A_68 = arith.constant 1 : i32
    %dma_wait3A_69 = arith.constant 1 : i32
    %dma_wait3A_70 = arith.constant 100 : i32
    %dma_wait3A_71 = arith.constant 0 : i32
    %dma_wait3A_72 = tpu.memref_slice %arg7[%dma_wait3A_70, %dma_wait3A_71] : memref<400x128xf32, #tpu.memory_space<vmem>> -> memref<100x128xf32, #tpu.memory_space<vmem>>
    %dma_wait3A_73 = arith.constant 0 : i32
    %dma_wait3A_74 = tpu.memref_slice %arg6[%dma_wait3A_68, %dma_wait3A_73] : memref<4x100xi32, #tpu.memory_space<vmem>> -> memref<1x100xi32, #tpu.memory_space<vmem>>
    %dma_wait3A_75 = tpu.memref_squeeze %dma_wait3A_74 : memref<1x100xi32, #tpu.memory_space<vmem>> -> memref<100xi32, #tpu.memory_space<vmem>>
    %dma_wait3A_76 = arith.constant 0 : i32
    %dma_wait3A_77 = arith.constant 0 : i32
    %dma_wait3A_78 = tpu.memref_slice %arg2[%dma_wait3A_76, %dma_wait3A_77] : memref<100001x128xf32, #tpu.memory_space<hbm>> -> memref<100001x128xf32, #tpu.memory_space<hbm>>
    %dma_wait3A_79 = tpu.memref_slice %arg9[%dma_wait3A_69] : memref<4x!tpu.dma_semaphore, #tpu.memory_space<semaphore_mem>> -> memref<1x!tpu.dma_semaphore, #tpu.memory_space<semaphore_mem>>
    %dma_wait3A_80 = tpu.memref_squeeze %dma_wait3A_79 : memref<1x!tpu.dma_semaphore, #tpu.memory_space<semaphore_mem>> -> memref<!tpu.dma_semaphore, #tpu.memory_space<semaphore_mem>>
    tpu.wait_indirect_dma semaphore(%dma_wait3A_80 : memref<!tpu.dma_semaphore, #tpu.memory_space<semaphore_mem>>) src(%dma_wait3A_78 : memref<100001x128xf32, #tpu.memory_space<hbm>>) dst(%dma_wait3A_72 : memref<100x128xf32, #tpu.memory_space<vmem>>)
    %parallel_loop3A_81 = arith.constant 0 : i32
    %parallel_loop3A_82 = arith.constant 100 : i32
    %parallel_loop3A_83 = arith.constant 1 : i32
    scf.for %parallel_loop3A_116 = %parallel_loop3A_81 to %parallel_loop3A_82 step %parallel_loop3A_83  : i32 {
      %parallel_loop3A_117 = arith.constant 100 : i32
      %parallel_loop3A_118 = arith.addi %parallel_loop3A_117, %parallel_loop3A_116 : i32
      %parallel_loop3A_119 = arith.index_cast %parallel_loop3A_118 : i32 to index
      %parallel_loop3A_120 = arith.constant 0 : index
      %parallel_loop3A_121 = tpu.vector_load %arg7[%parallel_loop3A_119, %parallel_loop3A_120] {strides = array<i32>} : memref<400x128xf32, #tpu.memory_space<vmem>>, vector<1x16xf32>,
      %parallel_loop3A_122 = vector.shape_cast %parallel_loop3A_121 : vector<1x16xf32> to vector<16xf32>
      %parallel_loop3A_123 = arith.constant 11.3137083 : f32
      %parallel_loop3A_124 = vector.broadcast %parallel_loop3A_123 : f32 to vector<16xf32>
      %parallel_loop3A_125 = arith.mulf %parallel_loop3A_122, %parallel_loop3A_124 : vector<16xf32>
      %parallel_loop3A_126 = arith.constant 100 : i32
      %parallel_loop3A_127 = arith.addi %parallel_loop3A_126, %parallel_loop3A_116 : i32
      %parallel_loop3A_128 = arith.index_cast %parallel_loop3A_127 : i32 to index
      %parallel_loop3A_129 = arith.constant 0 : index
      %parallel_loop3A_130 = tpu.vector_load %arg8[%parallel_loop3A_128, %parallel_loop3A_129] {strides = array<i32>} : memref<200x128xf32, #tpu.memory_space<vmem>>, vector<1x16xf32>,
      %parallel_loop3A_131 = vector.shape_cast %parallel_loop3A_130 : vector<1x16xf32> to vector<16xf32>
      %parallel_loop3A_132 = arith.addf %parallel_loop3A_125, %parallel_loop3A_131 : vector<16xf32>
      %parallel_loop3A_133 = arith.index_cast %parallel_loop3A_118 : i32 to index
      %parallel_loop3A_134 = arith.constant 0 : index
      %parallel_loop3A_135 = tpu.vector_load %arg7[%parallel_loop3A_133, %parallel_loop3A_134] {strides = array<i32>} : memref<400x128xf32, #tpu.memory_space<vmem>>, vector<1x16xf32>,
      %parallel_loop3A_136 = vector.shape_cast %parallel_loop3A_135 : vector<1x16xf32> to vector<16xf32>
      %parallel_loop3A_137 = vector.shape_cast %parallel_loop3A_132 : vector<16xf32> to vector<1x16xf32>
      tpu.vector_store %arg7[%parallel_loop3A_133, %parallel_loop3A_134], %parallel_loop3A_137 {strides = array<i32>} : memref<400x128xf32, #tpu.memory_space<vmem>>, vector<1x16xf32>,
      %parallel_loop3A_138 = arith.index_cast %parallel_loop3A_118 : i32 to index
      %parallel_loop3A_139 = arith.constant 16 : index
      %parallel_loop3A_140 = tpu.vector_load %arg7[%parallel_loop3A_138, %parallel_loop3A_139] {strides = array<i32>} : memref<400x128xf32, #tpu.memory_space<vmem>>, vector<1x16xf32>,
      %parallel_loop3A_141 = vector.shape_cast %parallel_loop3A_140 : vector<1x16xf32> to vector<16xf32>
      %parallel_loop3A_142 = arith.constant 11.3137083 : f32
      %parallel_loop3A_143 = vector.broadcast %parallel_loop3A_142 : f32 to vector<16xf32>
      %parallel_loop3A_144 = arith.mulf %parallel_loop3A_141, %parallel_loop3A_143 : vector<16xf32>
      %parallel_loop3A_145 = arith.constant 100 : i32
      %parallel_loop3A_146 = arith.addi %parallel_loop3A_145, %parallel_loop3A_116 : i32
      %parallel_loop3A_147 = arith.index_cast %parallel_loop3A_146 : i32 to index
      %parallel_loop3A_148 = arith.constant 16 : index
      %parallel_loop3A_149 = tpu.vector_load %arg8[%parallel_loop3A_147, %parallel_loop3A_148] {strides = array<i32>} : memref<200x128xf32, #tpu.memory_space<vmem>>, vector<1x16xf32>,
      %parallel_loop3A_150 = vector.shape_cast %parallel_loop3A_149 : vector<1x16xf32> to vector<16xf32>
      %parallel_loop3A_151 = arith.addf %parallel_loop3A_144, %parallel_loop3A_150 : vector<16xf32>
      %parallel_loop3A_152 = arith.index_cast %parallel_loop3A_118 : i32 to index
      %parallel_loop3A_153 = arith.constant 16 : index
      %parallel_loop3A_154 = tpu.vector_load %arg7[%parallel_loop3A_152, %parallel_loop3A_153] {strides = array<i32>} : memref<400x128xf32, #tpu.memory_space<vmem>>, vector<1x16xf32>,
      %parallel_loop3A_155 = vector.shape_cast %parallel_loop3A_154 : vector<1x16xf32> to vector<16xf32>
      %parallel_loop3A_156 = vector.shape_cast %parallel_loop3A_151 : vector<16xf32> to vector<1x16xf32>
      tpu.vector_store %arg7[%parallel_loop3A_152, %parallel_loop3A_153], %parallel_loop3A_156 {strides = array<i32>} : memref<400x128xf32, #tpu.memory_space<vmem>>, vector<1x16xf32>,
      %parallel_loop3A_157 = arith.index_cast %parallel_loop3A_118 : i32 to index
      %parallel_loop3A_158 = arith.constant 32 : index
      %parallel_loop3A_159 = tpu.vector_load %arg7[%parallel_loop3A_157, %parallel_loop3A_158] {strides = array<i32>} : memref<400x128xf32, #tpu.memory_space<vmem>>, vector<1x16xf32>,
      %parallel_loop3A_160 = vector.shape_cast %parallel_loop3A_159 : vector<1x16xf32> to vector<16xf32>
      %parallel_loop3A_161 = arith.constant 11.3137083 : f32
      %parallel_loop3A_162 = vector.broadcast %parallel_loop3A_161 : f32 to vector<16xf32>
      %parallel_loop3A_163 = arith.mulf %parallel_loop3A_160, %parallel_loop3A_162 : vector<16xf32>
      %parallel_loop3A_164 = arith.constant 100 : i32
      %parallel_loop3A_165 = arith.addi %parallel_loop3A_164, %parallel_loop3A_116 : i32
      %parallel_loop3A_166 = arith.index_cast %parallel_loop3A_165 : i32 to index
      %parallel_loop3A_167 = arith.constant 32 : index
      %parallel_loop3A_168 = tpu.vector_load %arg8[%parallel_loop3A_166, %parallel_loop3A_167] {strides = array<i32>} : memref<200x128xf32, #tpu.memory_space<vmem>>, vector<1x16xf32>,
      %parallel_loop3A_169 = vector.shape_cast %parallel_loop3A_168 : vector<1x16xf32> to vector<16xf32>
      %parallel_loop3A_170 = arith.addf %parallel_loop3A_163, %parallel_loop3A_169 : vector<16xf32>
      %parallel_loop3A_171 = arith.index_cast %parallel_loop3A_118 : i32 to index
      %parallel_loop3A_172 = arith.constant 32 : index
      %parallel_loop3A_173 = tpu.vector_load %arg7[%parallel_loop3A_171, %parallel_loop3A_172] {strides = array<i32>} : memref<400x128xf32, #tpu.memory_space<vmem>>, vector<1x16xf32>,
      %parallel_loop3A_174 = vector.shape_cast %parallel_loop3A_173 : vector<1x16xf32> to vector<16xf32>
      %parallel_loop3A_175 = vector.shape_cast %parallel_loop3A_170 : vector<16xf32> to vector<1x16xf32>
      tpu.vector_store %arg7[%parallel_loop3A_171, %parallel_loop3A_172], %parallel_loop3A_175 {strides = array<i32>} : memref<400x128xf32, #tpu.memory_space<vmem>>, vector<1x16xf32>,
      %parallel_loop3A_176 = arith.index_cast %parallel_loop3A_118 : i32 to index
      %parallel_loop3A_177 = arith.constant 48 : index
      %parallel_loop3A_178 = tpu.vector_load %arg7[%parallel_loop3A_176, %parallel_loop3A_177] {strides = array<i32>} : memref<400x128xf32, #tpu.memory_space<vmem>>, vector<1x16xf32>,
      %parallel_loop3A_179 = vector.shape_cast %parallel_loop3A_178 : vector<1x16xf32> to vector<16xf32>
      %parallel_loop3A_180 = arith.constant 11.3137083 : f32
      %parallel_loop3A_181 = vector.broadcast %parallel_loop3A_180 : f32 to vector<16xf32>
      %parallel_loop3A_182 = arith.mulf %parallel_loop3A_179, %parallel_loop3A_181 : vector<16xf32>
      %parallel_loop3A_183 = arith.constant 100 : i32
      %parallel_loop3A_184 = arith.addi %parallel_loop3A_183, %parallel_loop3A_116 : i32
      %parallel_loop3A_185 = arith.index_cast %parallel_loop3A_184 : i32 to index
      %parallel_loop3A_186 = arith.constant 48 : index
      %parallel_loop3A_187 = tpu.vector_load %arg8[%parallel_loop3A_185, %parallel_loop3A_186] {strides = array<i32>} : memref<200x128xf32, #tpu.memory_space<vmem>>, vector<1x16xf32>,
      %parallel_loop3A_188 = vector.shape_cast %parallel_loop3A_187 : vector<1x16xf32> to vector<16xf32>
      %parallel_loop3A_189 = arith.addf %parallel_loop3A_182, %parallel_loop3A_188 : vector<16xf32>
      %parallel_loop3A_190 = arith.index_cast %parallel_loop3A_118 : i32 to index
      %parallel_loop3A_191 = arith.constant 48 : index
      %parallel_loop3A_192 = tpu.vector_load %arg7[%parallel_loop3A_190, %parallel_loop3A_191] {strides = array<i32>} : memref<400x128xf32, #tpu.memory_space<vmem>>, vector<1x16xf32>,
      %parallel_loop3A_193 = vector.shape_cast %parallel_loop3A_192 : vector<1x16xf32> to vector<16xf32>
      %parallel_loop3A_194 = vector.shape_cast %parallel_loop3A_189 : vector<16xf32> to vector<1x16xf32>
      tpu.vector_store %arg7[%parallel_loop3A_190, %parallel_loop3A_191], %parallel_loop3A_194 {strides = array<i32>} : memref<400x128xf32, #tpu.memory_space<vmem>>, vector<1x16xf32>,
      %parallel_loop3A_195 = arith.index_cast %parallel_loop3A_118 : i32 to index
      %parallel_loop3A_196 = arith.constant 64 : index
      %parallel_loop3A_197 = tpu.vector_load %arg7[%parallel_loop3A_195, %parallel_loop3A_196] {strides = array<i32>} : memref<400x128xf32, #tpu.memory_space<vmem>>, vector<1x16xf32>,
      %parallel_loop3A_198 = vector.shape_cast %parallel_loop3A_197 : vector<1x16xf32> to vector<16xf32>
      %parallel_loop3A_199 = arith.constant 11.3137083 : f32
      %parallel_loop3A_200 = vector.broadcast %parallel_loop3A_199 : f32 to vector<16xf32>
      %parallel_loop3A_201 = arith.mulf %parallel_loop3A_198, %parallel_loop3A_200 : vector<16xf32>
      %parallel_loop3A_202 = arith.constant 100 : i32
      %parallel_loop3A_203 = arith.addi %parallel_loop3A_202, %parallel_loop3A_116 : i32
      %parallel_loop3A_204 = arith.index_cast %parallel_loop3A_203 : i32 to index
      %parallel_loop3A_205 = arith.constant 64 : index
      %parallel_loop3A_206 = tpu.vector_load %arg8[%parallel_loop3A_204, %parallel_loop3A_205] {strides = array<i32>} : memref<200x128xf32, #tpu.memory_space<vmem>>, vector<1x16xf32>,
      %parallel_loop3A_207 = vector.shape_cast %parallel_loop3A_206 : vector<1x16xf32> to vector<16xf32>
      %parallel_loop3A_208 = arith.addf %parallel_loop3A_201, %parallel_loop3A_207 : vector<16xf32>
      %parallel_loop3A_209 = arith.index_cast %parallel_loop3A_118 : i32 to index
      %parallel_loop3A_210 = arith.constant 64 : index
      %parallel_loop3A_211 = tpu.vector_load %arg7[%parallel_loop3A_209, %parallel_loop3A_210] {strides = array<i32>} : memref<400x128xf32, #tpu.memory_space<vmem>>, vector<1x16xf32>,
      %parallel_loop3A_212 = vector.shape_cast %parallel_loop3A_211 : vector<1x16xf32> to vector<16xf32>
      %parallel_loop3A_213 = vector.shape_cast %parallel_loop3A_208 : vector<16xf32> to vector<1x16xf32>
      tpu.vector_store %arg7[%parallel_loop3A_209, %parallel_loop3A_210], %parallel_loop3A_213 {strides = array<i32>} : memref<400x128xf32, #tpu.memory_space<vmem>>, vector<1x16xf32>,
      %parallel_loop3A_214 = arith.index_cast %parallel_loop3A_118 : i32 to index
      %parallel_loop3A_215 = arith.constant 80 : index
      %parallel_loop3A_216 = tpu.vector_load %arg7[%parallel_loop3A_214, %parallel_loop3A_215] {strides = array<i32>} : memref<400x128xf32, #tpu.memory_space<vmem>>, vector<1x16xf32>,
      %parallel_loop3A_217 = vector.shape_cast %parallel_loop3A_216 : vector<1x16xf32> to vector<16xf32>
      %parallel_loop3A_218 = arith.constant 11.3137083 : f32
      %parallel_loop3A_219 = vector.broadcast %parallel_loop3A_218 : f32 to vector<16xf32>
      %parallel_loop3A_220 = arith.mulf %parallel_loop3A_217, %parallel_loop3A_219 : vector<16xf32>
      %parallel_loop3A_221 = arith.constant 100 : i32
      %parallel_loop3A_222 = arith.addi %parallel_loop3A_221, %parallel_loop3A_116 : i32
      %parallel_loop3A_223 = arith.index_cast %parallel_loop3A_222 : i32 to index
      %parallel_loop3A_224 = arith.constant 80 : index
      %parallel_loop3A_225 = tpu.vector_load %arg8[%parallel_loop3A_223, %parallel_loop3A_224] {strides = array<i32>} : memref<200x128xf32, #tpu.memory_space<vmem>>, vector<1x16xf32>,
      %parallel_loop3A_226 = vector.shape_cast %parallel_loop3A_225 : vector<1x16xf32> to vector<16xf32>
      %parallel_loop3A_227 = arith.addf %parallel_loop3A_220, %parallel_loop3A_226 : vector<16xf32>
      %parallel_loop3A_228 = arith.index_cast %parallel_loop3A_118 : i32 to index
      %parallel_loop3A_229 = arith.constant 80 : index
      %parallel_loop3A_230 = tpu.vector_load %arg7[%parallel_loop3A_228, %parallel_loop3A_229] {strides = array<i32>} : memref<400x128xf32, #tpu.memory_space<vmem>>, vector<1x16xf32>,
      %parallel_loop3A_231 = vector.shape_cast %parallel_loop3A_230 : vector<1x16xf32> to vector<16xf32>
      %parallel_loop3A_232 = vector.shape_cast %parallel_loop3A_227 : vector<16xf32> to vector<1x16xf32>
      tpu.vector_store %arg7[%parallel_loop3A_228, %parallel_loop3A_229], %parallel_loop3A_232 {strides = array<i32>} : memref<400x128xf32, #tpu.memory_space<vmem>>, vector<1x16xf32>,
      %parallel_loop3A_233 = arith.index_cast %parallel_loop3A_118 : i32 to index
      %parallel_loop3A_234 = arith.constant 96 : index
      %parallel_loop3A_235 = tpu.vector_load %arg7[%parallel_loop3A_233, %parallel_loop3A_234] {strides = array<i32>} : memref<400x128xf32, #tpu.memory_space<vmem>>, vector<1x16xf32>,
      %parallel_loop3A_236 = vector.shape_cast %parallel_loop3A_235 : vector<1x16xf32> to vector<16xf32>
      %parallel_loop3A_237 = arith.constant 11.3137083 : f32
      %parallel_loop3A_238 = vector.broadcast %parallel_loop3A_237 : f32 to vector<16xf32>
      %parallel_loop3A_239 = arith.mulf %parallel_loop3A_236, %parallel_loop3A_238 : vector<16xf32>
      %parallel_loop3A_240 = arith.constant 100 : i32
      %parallel_loop3A_241 = arith.addi %parallel_loop3A_240, %parallel_loop3A_116 : i32
      %parallel_loop3A_242 = arith.index_cast %parallel_loop3A_241 : i32 to index
      %parallel_loop3A_243 = arith.constant 96 : index
      %parallel_loop3A_244 = tpu.vector_load %arg8[%parallel_loop3A_242, %parallel_loop3A_243] {strides = array<i32>} : memref<200x128xf32, #tpu.memory_space<vmem>>, vector<1x16xf32>,
      %parallel_loop3A_245 = vector.shape_cast %parallel_loop3A_244 : vector<1x16xf32> to vector<16xf32>
      %parallel_loop3A_246 = arith.addf %parallel_loop3A_239, %parallel_loop3A_245 : vector<16xf32>
      %parallel_loop3A_247 = arith.index_cast %parallel_loop3A_118 : i32 to index
      %parallel_loop3A_248 = arith.constant 96 : index
      %parallel_loop3A_249 = tpu.vector_load %arg7[%parallel_loop3A_247, %parallel_loop3A_248] {strides = array<i32>} : memref<400x128xf32, #tpu.memory_space<vmem>>, vector<1x16xf32>,
      %parallel_loop3A_250 = vector.shape_cast %parallel_loop3A_249 : vector<1x16xf32> to vector<16xf32>
      %parallel_loop3A_251 = vector.shape_cast %parallel_loop3A_246 : vector<16xf32> to vector<1x16xf32>
      tpu.vector_store %arg7[%parallel_loop3A_247, %parallel_loop3A_248], %parallel_loop3A_251 {strides = array<i32>} : memref<400x128xf32, #tpu.memory_space<vmem>>, vector<1x16xf32>,
      %parallel_loop3A_252 = arith.index_cast %parallel_loop3A_118 : i32 to index
      %parallel_loop3A_253 = arith.constant 112 : index
      %parallel_loop3A_254 = tpu.vector_load %arg7[%parallel_loop3A_252, %parallel_loop3A_253] {strides = array<i32>} : memref<400x128xf32, #tpu.memory_space<vmem>>, vector<1x16xf32>,
      %parallel_loop3A_255 = vector.shape_cast %parallel_loop3A_254 : vector<1x16xf32> to vector<16xf32>
      %parallel_loop3A_256 = arith.constant 11.3137083 : f32
      %parallel_loop3A_257 = vector.broadcast %parallel_loop3A_256 : f32 to vector<16xf32>
      %parallel_loop3A_258 = arith.mulf %parallel_loop3A_255, %parallel_loop3A_257 : vector<16xf32>
      %parallel_loop3A_259 = arith.constant 100 : i32
      %parallel_loop3A_260 = arith.addi %parallel_loop3A_259, %parallel_loop3A_116 : i32
      %parallel_loop3A_261 = arith.index_cast %parallel_loop3A_260 : i32 to index
      %parallel_loop3A_262 = arith.constant 112 : index
      %parallel_loop3A_263 = tpu.vector_load %arg8[%parallel_loop3A_261, %parallel_loop3A_262] {strides = array<i32>} : memref<200x128xf32, #tpu.memory_space<vmem>>, vector<1x16xf32>,
      %parallel_loop3A_264 = vector.shape_cast %parallel_loop3A_263 : vector<1x16xf32> to vector<16xf32>
      %parallel_loop3A_265 = arith.addf %parallel_loop3A_258, %parallel_loop3A_264 : vector<16xf32>
      %parallel_loop3A_266 = arith.index_cast %parallel_loop3A_118 : i32 to index
      %parallel_loop3A_267 = arith.constant 112 : index
      %parallel_loop3A_268 = tpu.vector_load %arg7[%parallel_loop3A_266, %parallel_loop3A_267] {strides = array<i32>} : memref<400x128xf32, #tpu.memory_space<vmem>>, vector<1x16xf32>,
      %parallel_loop3A_269 = vector.shape_cast %parallel_loop3A_268 : vector<1x16xf32> to vector<16xf32>
      %parallel_loop3A_270 = vector.shape_cast %parallel_loop3A_265 : vector<16xf32> to vector<1x16xf32>
      tpu.vector_store %arg7[%parallel_loop3A_266, %parallel_loop3A_267], %parallel_loop3A_270 {strides = array<i32>} : memref<400x128xf32, #tpu.memory_space<vmem>>, vector<1x16xf32>,
    } {sc.loop_unroll_factor = 1 : i64, sc.parallel_access}
    %dma_wait3A_84 = arith.constant 2 : i32
    %dma_wait3A_85 = arith.constant 2 : i32
    %dma_wait3A_86 = arith.constant 200 : i32
    %dma_wait3A_87 = arith.constant 0 : i32
    %dma_wait3A_88 = tpu.memref_slice %arg7[%dma_wait3A_86, %dma_wait3A_87] : memref<400x128xf32, #tpu.memory_space<vmem>> -> memref<100x128xf32, #tpu.memory_space<vmem>>
    %dma_wait3A_89 = arith.constant 0 : i32
    %dma_wait3A_90 = tpu.memref_slice %arg6[%dma_wait3A_84, %dma_wait3A_89] : memref<4x100xi32, #tpu.memory_space<vmem>> -> memref<1x100xi32, #tpu.memory_space<vmem>>
    %dma_wait3A_91 = tpu.memref_squeeze %dma_wait3A_90 : memref<1x100xi32, #tpu.memory_space<vmem>> -> memref<100xi32, #tpu.memory_space<vmem>>
    %dma_wait3A_92 = arith.constant 0 : i32
    %dma_wait3A_93 = arith.constant 0 : i32
    %dma_wait3A_94 = tpu.memref_slice %arg2[%dma_wait3A_92, %dma_wait3A_93] : memref<100001x128xf32, #tpu.memory_space<hbm>> -> memref<100001x128xf32, #tpu.memory_space<hbm>>
    %dma_wait3A_95 = tpu.memref_slice %arg9[%dma_wait3A_85] : memref<4x!tpu.dma_semaphore, #tpu.memory_space<semaphore_mem>> -> memref<1x!tpu.dma_semaphore, #tpu.memory_space<semaphore_mem>>
    %dma_wait3A_96 = tpu.memref_squeeze %dma_wait3A_95 : memref<1x!tpu.dma_semaphore, #tpu.memory_space<semaphore_mem>> -> memref<!tpu.dma_semaphore, #tpu.memory_space<semaphore_mem>>
    tpu.wait_indirect_dma semaphore(%dma_wait3A_96 : memref<!tpu.dma_semaphore, #tpu.memory_space<semaphore_mem>>) src(%dma_wait3A_94 : memref<100001x128xf32, #tpu.memory_space<hbm>>) dst(%dma_wait3A_88 : memref<100x128xf32, #tpu.memory_space<vmem>>)
    %parallel_loop3A_97 = arith.constant 0 : i32
    %parallel_loop3A_98 = arith.constant 100 : i32
    %parallel_loop3A_99 = arith.constant 1 : i32
    scf.for %parallel_loop3A_116 = %parallel_loop3A_97 to %parallel_loop3A_98 step %parallel_loop3A_99  : i32 {
      %parallel_loop3A_117 = arith.constant 200 : i32
      %parallel_loop3A_118 = arith.addi %parallel_loop3A_117, %parallel_loop3A_116 : i32
      %parallel_loop3A_119 = arith.index_cast %parallel_loop3A_118 : i32 to index
      %parallel_loop3A_120 = arith.constant 0 : index
      %parallel_loop3A_121 = tpu.vector_load %arg7[%parallel_loop3A_119, %parallel_loop3A_120] {strides = array<i32>} : memref<400x128xf32, #tpu.memory_space<vmem>>, vector<1x16xf32>,
      %parallel_loop3A_122 = vector.shape_cast %parallel_loop3A_121 : vector<1x16xf32> to vector<16xf32>
      %parallel_loop3A_123 = arith.constant 11.3137083 : f32
      %parallel_loop3A_124 = vector.broadcast %parallel_loop3A_123 : f32 to vector<16xf32>
      %parallel_loop3A_125 = arith.mulf %parallel_loop3A_122, %parallel_loop3A_124 : vector<16xf32>
      %parallel_loop3A_126 = arith.constant 0 : i32
      %parallel_loop3A_127 = arith.addi %parallel_loop3A_126, %parallel_loop3A_116 : i32
      %parallel_loop3A_128 = arith.index_cast %parallel_loop3A_127 : i32 to index
      %parallel_loop3A_129 = arith.constant 0 : index
      %parallel_loop3A_130 = tpu.vector_load %arg8[%parallel_loop3A_128, %parallel_loop3A_129] {strides = array<i32>} : memref<200x128xf32, #tpu.memory_space<vmem>>, vector<1x16xf32>,
      %parallel_loop3A_131 = vector.shape_cast %parallel_loop3A_130 : vector<1x16xf32> to vector<16xf32>
      %parallel_loop3A_132 = arith.addf %parallel_loop3A_125, %parallel_loop3A_131 : vector<16xf32>
      %parallel_loop3A_133 = arith.index_cast %parallel_loop3A_118 : i32 to index
      %parallel_loop3A_134 = arith.constant 0 : index
      %parallel_loop3A_135 = tpu.vector_load %arg7[%parallel_loop3A_133, %parallel_loop3A_134] {strides = array<i32>} : memref<400x128xf32, #tpu.memory_space<vmem>>, vector<1x16xf32>,
      %parallel_loop3A_136 = vector.shape_cast %parallel_loop3A_135 : vector<1x16xf32> to vector<16xf32>
      %parallel_loop3A_137 = vector.shape_cast %parallel_loop3A_132 : vector<16xf32> to vector<1x16xf32>
      tpu.vector_store %arg7[%parallel_loop3A_133, %parallel_loop3A_134], %parallel_loop3A_137 {strides = array<i32>} : memref<400x128xf32, #tpu.memory_space<vmem>>, vector<1x16xf32>,
      %parallel_loop3A_138 = arith.index_cast %parallel_loop3A_118 : i32 to index
      %parallel_loop3A_139 = arith.constant 16 : index
      %parallel_loop3A_140 = tpu.vector_load %arg7[%parallel_loop3A_138, %parallel_loop3A_139] {strides = array<i32>} : memref<400x128xf32, #tpu.memory_space<vmem>>, vector<1x16xf32>,
      %parallel_loop3A_141 = vector.shape_cast %parallel_loop3A_140 : vector<1x16xf32> to vector<16xf32>
      %parallel_loop3A_142 = arith.constant 11.3137083 : f32
      %parallel_loop3A_143 = vector.broadcast %parallel_loop3A_142 : f32 to vector<16xf32>
      %parallel_loop3A_144 = arith.mulf %parallel_loop3A_141, %parallel_loop3A_143 : vector<16xf32>
      %parallel_loop3A_145 = arith.constant 0 : i32
      %parallel_loop3A_146 = arith.addi %parallel_loop3A_145, %parallel_loop3A_116 : i32
      %parallel_loop3A_147 = arith.index_cast %parallel_loop3A_146 : i32 to index
      %parallel_loop3A_148 = arith.constant 16 : index
      %parallel_loop3A_149 = tpu.vector_load %arg8[%parallel_loop3A_147, %parallel_loop3A_148] {strides = array<i32>} : memref<200x128xf32, #tpu.memory_space<vmem>>, vector<1x16xf32>,
      %parallel_loop3A_150 = vector.shape_cast %parallel_loop3A_149 : vector<1x16xf32> to vector<16xf32>
      %parallel_loop3A_151 = arith.addf %parallel_loop3A_144, %parallel_loop3A_150 : vector<16xf32>
      %parallel_loop3A_152 = arith.index_cast %parallel_loop3A_118 : i32 to index
      %parallel_loop3A_153 = arith.constant 16 : index
      %parallel_loop3A_154 = tpu.vector_load %arg7[%parallel_loop3A_152, %parallel_loop3A_153] {strides = array<i32>} : memref<400x128xf32, #tpu.memory_space<vmem>>, vector<1x16xf32>,
      %parallel_loop3A_155 = vector.shape_cast %parallel_loop3A_154 : vector<1x16xf32> to vector<16xf32>
      %parallel_loop3A_156 = vector.shape_cast %parallel_loop3A_151 : vector<16xf32> to vector<1x16xf32>
      tpu.vector_store %arg7[%parallel_loop3A_152, %parallel_loop3A_153], %parallel_loop3A_156 {strides = array<i32>} : memref<400x128xf32, #tpu.memory_space<vmem>>, vector<1x16xf32>,
      %parallel_loop3A_157 = arith.index_cast %parallel_loop3A_118 : i32 to index
      %parallel_loop3A_158 = arith.constant 32 : index
      %parallel_loop3A_159 = tpu.vector_load %arg7[%parallel_loop3A_157, %parallel_loop3A_158] {strides = array<i32>} : memref<400x128xf32, #tpu.memory_space<vmem>>, vector<1x16xf32>,
      %parallel_loop3A_160 = vector.shape_cast %parallel_loop3A_159 : vector<1x16xf32> to vector<16xf32>
      %parallel_loop3A_161 = arith.constant 11.3137083 : f32
      %parallel_loop3A_162 = vector.broadcast %parallel_loop3A_161 : f32 to vector<16xf32>
      %parallel_loop3A_163 = arith.mulf %parallel_loop3A_160, %parallel_loop3A_162 : vector<16xf32>
      %parallel_loop3A_164 = arith.constant 0 : i32
      %parallel_loop3A_165 = arith.addi %parallel_loop3A_164, %parallel_loop3A_116 : i32
      %parallel_loop3A_166 = arith.index_cast %parallel_loop3A_165 : i32 to index
      %parallel_loop3A_167 = arith.constant 32 : index
      %parallel_loop3A_168 = tpu.vector_load %arg8[%parallel_loop3A_166, %parallel_loop3A_167] {strides = array<i32>} : memref<200x128xf32, #tpu.memory_space<vmem>>, vector<1x16xf32>,
      %parallel_loop3A_169 = vector.shape_cast %parallel_loop3A_168 : vector<1x16xf32> to vector<16xf32>
      %parallel_loop3A_170 = arith.addf %parallel_loop3A_163, %parallel_loop3A_169 : vector<16xf32>
      %parallel_loop3A_171 = arith.index_cast %parallel_loop3A_118 : i32 to index
      %parallel_loop3A_172 = arith.constant 32 : index
      %parallel_loop3A_173 = tpu.vector_load %arg7[%parallel_loop3A_171, %parallel_loop3A_172] {strides = array<i32>} : memref<400x128xf32, #tpu.memory_space<vmem>>, vector<1x16xf32>,
      %parallel_loop3A_174 = vector.shape_cast %parallel_loop3A_173 : vector<1x16xf32> to vector<16xf32>
      %parallel_loop3A_175 = vector.shape_cast %parallel_loop3A_170 : vector<16xf32> to vector<1x16xf32>
      tpu.vector_store %arg7[%parallel_loop3A_171, %parallel_loop3A_172], %parallel_loop3A_175 {strides = array<i32>} : memref<400x128xf32, #tpu.memory_space<vmem>>, vector<1x16xf32>,
      %parallel_loop3A_176 = arith.index_cast %parallel_loop3A_118 : i32 to index
      %parallel_loop3A_177 = arith.constant 48 : index
      %parallel_loop3A_178 = tpu.vector_load %arg7[%parallel_loop3A_176, %parallel_loop3A_177] {strides = array<i32>} : memref<400x128xf32, #tpu.memory_space<vmem>>, vector<1x16xf32>,
      %parallel_loop3A_179 = vector.shape_cast %parallel_loop3A_178 : vector<1x16xf32> to vector<16xf32>
      %parallel_loop3A_180 = arith.constant 11.3137083 : f32
      %parallel_loop3A_181 = vector.broadcast %parallel_loop3A_180 : f32 to vector<16xf32>
      %parallel_loop3A_182 = arith.mulf %parallel_loop3A_179, %parallel_loop3A_181 : vector<16xf32>
      %parallel_loop3A_183 = arith.constant 0 : i32
      %parallel_loop3A_184 = arith.addi %parallel_loop3A_183, %parallel_loop3A_116 : i32
      %parallel_loop3A_185 = arith.index_cast %parallel_loop3A_184 : i32 to index
      %parallel_loop3A_186 = arith.constant 48 : index
      %parallel_loop3A_187 = tpu.vector_load %arg8[%parallel_loop3A_185, %parallel_loop3A_186] {strides = array<i32>} : memref<200x128xf32, #tpu.memory_space<vmem>>, vector<1x16xf32>,
      %parallel_loop3A_188 = vector.shape_cast %parallel_loop3A_187 : vector<1x16xf32> to vector<16xf32>
      %parallel_loop3A_189 = arith.addf %parallel_loop3A_182, %parallel_loop3A_188 : vector<16xf32>
      %parallel_loop3A_190 = arith.index_cast %parallel_loop3A_118 : i32 to index
      %parallel_loop3A_191 = arith.constant 48 : index
      %parallel_loop3A_192 = tpu.vector_load %arg7[%parallel_loop3A_190, %parallel_loop3A_191] {strides = array<i32>} : memref<400x128xf32, #tpu.memory_space<vmem>>, vector<1x16xf32>,
      %parallel_loop3A_193 = vector.shape_cast %parallel_loop3A_192 : vector<1x16xf32> to vector<16xf32>
      %parallel_loop3A_194 = vector.shape_cast %parallel_loop3A_189 : vector<16xf32> to vector<1x16xf32>
      tpu.vector_store %arg7[%parallel_loop3A_190, %parallel_loop3A_191], %parallel_loop3A_194 {strides = array<i32>} : memref<400x128xf32, #tpu.memory_space<vmem>>, vector<1x16xf32>,
      %parallel_loop3A_195 = arith.index_cast %parallel_loop3A_118 : i32 to index
      %parallel_loop3A_196 = arith.constant 64 : index
      %parallel_loop3A_197 = tpu.vector_load %arg7[%parallel_loop3A_195, %parallel_loop3A_196] {strides = array<i32>} : memref<400x128xf32, #tpu.memory_space<vmem>>, vector<1x16xf32>,
      %parallel_loop3A_198 = vector.shape_cast %parallel_loop3A_197 : vector<1x16xf32> to vector<16xf32>
      %parallel_loop3A_199 = arith.constant 11.3137083 : f32
      %parallel_loop3A_200 = vector.broadcast %parallel_loop3A_199 : f32 to vector<16xf32>
      %parallel_loop3A_201 = arith.mulf %parallel_loop3A_198, %parallel_loop3A_200 : vector<16xf32>
      %parallel_loop3A_202 = arith.constant 0 : i32
      %parallel_loop3A_203 = arith.addi %parallel_loop3A_202, %parallel_loop3A_116 : i32
      %parallel_loop3A_204 = arith.index_cast %parallel_loop3A_203 : i32 to index
      %parallel_loop3A_205 = arith.constant 64 : index
      %parallel_loop3A_206 = tpu.vector_load %arg8[%parallel_loop3A_204, %parallel_loop3A_205] {strides = array<i32>} : memref<200x128xf32, #tpu.memory_space<vmem>>, vector<1x16xf32>,
      %parallel_loop3A_207 = vector.shape_cast %parallel_loop3A_206 : vector<1x16xf32> to vector<16xf32>
      %parallel_loop3A_208 = arith.addf %parallel_loop3A_201, %parallel_loop3A_207 : vector<16xf32>
      %parallel_loop3A_209 = arith.index_cast %parallel_loop3A_118 : i32 to index
      %parallel_loop3A_210 = arith.constant 64 : index
      %parallel_loop3A_211 = tpu.vector_load %arg7[%parallel_loop3A_209, %parallel_loop3A_210] {strides = array<i32>} : memref<400x128xf32, #tpu.memory_space<vmem>>, vector<1x16xf32>,
      %parallel_loop3A_212 = vector.shape_cast %parallel_loop3A_211 : vector<1x16xf32> to vector<16xf32>
      %parallel_loop3A_213 = vector.shape_cast %parallel_loop3A_208 : vector<16xf32> to vector<1x16xf32>
      tpu.vector_store %arg7[%parallel_loop3A_209, %parallel_loop3A_210], %parallel_loop3A_213 {strides = array<i32>} : memref<400x128xf32, #tpu.memory_space<vmem>>, vector<1x16xf32>,
      %parallel_loop3A_214 = arith.index_cast %parallel_loop3A_118 : i32 to index
      %parallel_loop3A_215 = arith.constant 80 : index
      %parallel_loop3A_216 = tpu.vector_load %arg7[%parallel_loop3A_214, %parallel_loop3A_215] {strides = array<i32>} : memref<400x128xf32, #tpu.memory_space<vmem>>, vector<1x16xf32>,
      %parallel_loop3A_217 = vector.shape_cast %parallel_loop3A_216 : vector<1x16xf32> to vector<16xf32>
      %parallel_loop3A_218 = arith.constant 11.3137083 : f32
      %parallel_loop3A_219 = vector.broadcast %parallel_loop3A_218 : f32 to vector<16xf32>
      %parallel_loop3A_220 = arith.mulf %parallel_loop3A_217, %parallel_loop3A_219 : vector<16xf32>
      %parallel_loop3A_221 = arith.constant 0 : i32
      %parallel_loop3A_222 = arith.addi %parallel_loop3A_221, %parallel_loop3A_116 : i32
      %parallel_loop3A_223 = arith.index_cast %parallel_loop3A_222 : i32 to index
      %parallel_loop3A_224 = arith.constant 80 : index
      %parallel_loop3A_225 = tpu.vector_load %arg8[%parallel_loop3A_223, %parallel_loop3A_224] {strides = array<i32>} : memref<200x128xf32, #tpu.memory_space<vmem>>, vector<1x16xf32>,
      %parallel_loop3A_226 = vector.shape_cast %parallel_loop3A_225 : vector<1x16xf32> to vector<16xf32>
      %parallel_loop3A_227 = arith.addf %parallel_loop3A_220, %parallel_loop3A_226 : vector<16xf32>
      %parallel_loop3A_228 = arith.index_cast %parallel_loop3A_118 : i32 to index
      %parallel_loop3A_229 = arith.constant 80 : index
      %parallel_loop3A_230 = tpu.vector_load %arg7[%parallel_loop3A_228, %parallel_loop3A_229] {strides = array<i32>} : memref<400x128xf32, #tpu.memory_space<vmem>>, vector<1x16xf32>,
      %parallel_loop3A_231 = vector.shape_cast %parallel_loop3A_230 : vector<1x16xf32> to vector<16xf32>
      %parallel_loop3A_232 = vector.shape_cast %parallel_loop3A_227 : vector<16xf32> to vector<1x16xf32>
      tpu.vector_store %arg7[%parallel_loop3A_228, %parallel_loop3A_229], %parallel_loop3A_232 {strides = array<i32>} : memref<400x128xf32, #tpu.memory_space<vmem>>, vector<1x16xf32>,
      %parallel_loop3A_233 = arith.index_cast %parallel_loop3A_118 : i32 to index
      %parallel_loop3A_234 = arith.constant 96 : index
      %parallel_loop3A_235 = tpu.vector_load %arg7[%parallel_loop3A_233, %parallel_loop3A_234] {strides = array<i32>} : memref<400x128xf32, #tpu.memory_space<vmem>>, vector<1x16xf32>,
      %parallel_loop3A_236 = vector.shape_cast %parallel_loop3A_235 : vector<1x16xf32> to vector<16xf32>
      %parallel_loop3A_237 = arith.constant 11.3137083 : f32
      %parallel_loop3A_238 = vector.broadcast %parallel_loop3A_237 : f32 to vector<16xf32>
      %parallel_loop3A_239 = arith.mulf %parallel_loop3A_236, %parallel_loop3A_238 : vector<16xf32>
      %parallel_loop3A_240 = arith.constant 0 : i32
      %parallel_loop3A_241 = arith.addi %parallel_loop3A_240, %parallel_loop3A_116 : i32
      %parallel_loop3A_242 = arith.index_cast %parallel_loop3A_241 : i32 to index
      %parallel_loop3A_243 = arith.constant 96 : index
      %parallel_loop3A_244 = tpu.vector_load %arg8[%parallel_loop3A_242, %parallel_loop3A_243] {strides = array<i32>} : memref<200x128xf32, #tpu.memory_space<vmem>>, vector<1x16xf32>,
      %parallel_loop3A_245 = vector.shape_cast %parallel_loop3A_244 : vector<1x16xf32> to vector<16xf32>
      %parallel_loop3A_246 = arith.addf %parallel_loop3A_239, %parallel_loop3A_245 : vector<16xf32>
      %parallel_loop3A_247 = arith.index_cast %parallel_loop3A_118 : i32 to index
      %parallel_loop3A_248 = arith.constant 96 : index
      %parallel_loop3A_249 = tpu.vector_load %arg7[%parallel_loop3A_247, %parallel_loop3A_248] {strides = array<i32>} : memref<400x128xf32, #tpu.memory_space<vmem>>, vector<1x16xf32>,
      %parallel_loop3A_250 = vector.shape_cast %parallel_loop3A_249 : vector<1x16xf32> to vector<16xf32>
      %parallel_loop3A_251 = vector.shape_cast %parallel_loop3A_246 : vector<16xf32> to vector<1x16xf32>
      tpu.vector_store %arg7[%parallel_loop3A_247, %parallel_loop3A_248], %parallel_loop3A_251 {strides = array<i32>} : memref<400x128xf32, #tpu.memory_space<vmem>>, vector<1x16xf32>,
      %parallel_loop3A_252 = arith.index_cast %parallel_loop3A_118 : i32 to index
      %parallel_loop3A_253 = arith.constant 112 : index
      %parallel_loop3A_254 = tpu.vector_load %arg7[%parallel_loop3A_252, %parallel_loop3A_253] {strides = array<i32>} : memref<400x128xf32, #tpu.memory_space<vmem>>, vector<1x16xf32>,
      %parallel_loop3A_255 = vector.shape_cast %parallel_loop3A_254 : vector<1x16xf32> to vector<16xf32>
      %parallel_loop3A_256 = arith.constant 11.3137083 : f32
      %parallel_loop3A_257 = vector.broadcast %parallel_loop3A_256 : f32 to vector<16xf32>
      %parallel_loop3A_258 = arith.mulf %parallel_loop3A_255, %parallel_loop3A_257 : vector<16xf32>
      %parallel_loop3A_259 = arith.constant 0 : i32
      %parallel_loop3A_260 = arith.addi %parallel_loop3A_259, %parallel_loop3A_116 : i32
      %parallel_loop3A_261 = arith.index_cast %parallel_loop3A_260 : i32 to index
      %parallel_loop3A_262 = arith.constant 112 : index
      %parallel_loop3A_263 = tpu.vector_load %arg8[%parallel_loop3A_261, %parallel_loop3A_262] {strides = array<i32>} : memref<200x128xf32, #tpu.memory_space<vmem>>, vector<1x16xf32>,
      %parallel_loop3A_264 = vector.shape_cast %parallel_loop3A_263 : vector<1x16xf32> to vector<16xf32>
      %parallel_loop3A_265 = arith.addf %parallel_loop3A_258, %parallel_loop3A_264 : vector<16xf32>
      %parallel_loop3A_266 = arith.index_cast %parallel_loop3A_118 : i32 to index
      %parallel_loop3A_267 = arith.constant 112 : index
      %parallel_loop3A_268 = tpu.vector_load %arg7[%parallel_loop3A_266, %parallel_loop3A_267] {strides = array<i32>} : memref<400x128xf32, #tpu.memory_space<vmem>>, vector<1x16xf32>,
      %parallel_loop3A_269 = vector.shape_cast %parallel_loop3A_268 : vector<1x16xf32> to vector<16xf32>
      %parallel_loop3A_270 = vector.shape_cast %parallel_loop3A_265 : vector<16xf32> to vector<1x16xf32>
      tpu.vector_store %arg7[%parallel_loop3A_266, %parallel_loop3A_267], %parallel_loop3A_270 {strides = array<i32>} : memref<400x128xf32, #tpu.memory_space<vmem>>, vector<1x16xf32>,
    } {sc.loop_unroll_factor = 1 : i64, sc.parallel_access}
    %dma_wait3A_100 = arith.constant 3 : i32
    %dma_wait3A_101 = arith.constant 3 : i32
    %dma_wait3A_102 = arith.constant 300 : i32
    %dma_wait3A_103 = arith.constant 0 : i32
    %dma_wait3A_104 = tpu.memref_slice %arg7[%dma_wait3A_102, %dma_wait3A_103] : memref<400x128xf32, #tpu.memory_space<vmem>> -> memref<100x128xf32, #tpu.memory_space<vmem>>
    %dma_wait3A_105 = arith.constant 0 : i32
    %dma_wait3A_106 = tpu.memref_slice %arg6[%dma_wait3A_100, %dma_wait3A_105] : memref<4x100xi32, #tpu.memory_space<vmem>> -> memref<1x100xi32, #tpu.memory_space<vmem>>
    %dma_wait3A_107 = tpu.memref_squeeze %dma_wait3A_106 : memref<1x100xi32, #tpu.memory_space<vmem>> -> memref<100xi32, #tpu.memory_space<vmem>>
    %dma_wait3A_108 = arith.constant 0 : i32
    %dma_wait3A_109 = arith.constant 0 : i32
    %dma_wait3A_110 = tpu.memref_slice %arg2[%dma_wait3A_108, %dma_wait3A_109] : memref<100001x128xf32, #tpu.memory_space<hbm>> -> memref<100001x128xf32, #tpu.memory_space<hbm>>
    %dma_wait3A_111 = tpu.memref_slice %arg9[%dma_wait3A_101] : memref<4x!tpu.dma_semaphore, #tpu.memory_space<semaphore_mem>> -> memref<1x!tpu.dma_semaphore, #tpu.memory_space<semaphore_mem>>
    %dma_wait3A_112 = tpu.memref_squeeze %dma_wait3A_111 : memref<1x!tpu.dma_semaphore, #tpu.memory_space<semaphore_mem>> -> memref<!tpu.dma_semaphore, #tpu.memory_space<semaphore_mem>>
    tpu.wait_indirect_dma semaphore(%dma_wait3A_112 : memref<!tpu.dma_semaphore, #tpu.memory_space<semaphore_mem>>) src(%dma_wait3A_110 : memref<100001x128xf32, #tpu.memory_space<hbm>>) dst(%dma_wait3A_104 : memref<100x128xf32, #tpu.memory_space<vmem>>)
    %parallel_loop3A_113 = arith.constant 0 : i32
    %parallel_loop3A_114 = arith.constant 100 : i32
    %parallel_loop3A_115 = arith.constant 1 : i32
    scf.for %parallel_loop3A_116 = %parallel_loop3A_113 to %parallel_loop3A_114 step %parallel_loop3A_115  : i32 {
      %parallel_loop3A_117 = arith.constant 300 : i32
      %parallel_loop3A_118 = arith.addi %parallel_loop3A_117, %parallel_loop3A_116 : i32
      %parallel_loop3A_119 = arith.index_cast %parallel_loop3A_118 : i32 to index
      %parallel_loop3A_120 = arith.constant 0 : index
      %parallel_loop3A_121 = tpu.vector_load %arg7[%parallel_loop3A_119, %parallel_loop3A_120] {strides = array<i32>} : memref<400x128xf32, #tpu.memory_space<vmem>>, vector<1x16xf32>,
      %parallel_loop3A_122 = vector.shape_cast %parallel_loop3A_121 : vector<1x16xf32> to vector<16xf32>
      %parallel_loop3A_123 = arith.constant 11.3137083 : f32
      %parallel_loop3A_124 = vector.broadcast %parallel_loop3A_123 : f32 to vector<16xf32>
      %parallel_loop3A_125 = arith.mulf %parallel_loop3A_122, %parallel_loop3A_124 : vector<16xf32>
      %parallel_loop3A_126 = arith.constant 100 : i32
      %parallel_loop3A_127 = arith.addi %parallel_loop3A_126, %parallel_loop3A_116 : i32
      %parallel_loop3A_128 = arith.index_cast %parallel_loop3A_127 : i32 to index
      %parallel_loop3A_129 = arith.constant 0 : index
      %parallel_loop3A_130 = tpu.vector_load %arg8[%parallel_loop3A_128, %parallel_loop3A_129] {strides = array<i32>} : memref<200x128xf32, #tpu.memory_space<vmem>>, vector<1x16xf32>,
      %parallel_loop3A_131 = vector.shape_cast %parallel_loop3A_130 : vector<1x16xf32> to vector<16xf32>
      %parallel_loop3A_132 = arith.addf %parallel_loop3A_125, %parallel_loop3A_131 : vector<16xf32>
      %parallel_loop3A_133 = arith.index_cast %parallel_loop3A_118 : i32 to index
      %parallel_loop3A_134 = arith.constant 0 : index
      %parallel_loop3A_135 = tpu.vector_load %arg7[%parallel_loop3A_133, %parallel_loop3A_134] {strides = array<i32>} : memref<400x128xf32, #tpu.memory_space<vmem>>, vector<1x16xf32>,
      %parallel_loop3A_136 = vector.shape_cast %parallel_loop3A_135 : vector<1x16xf32> to vector<16xf32>
      %parallel_loop3A_137 = vector.shape_cast %parallel_loop3A_132 : vector<16xf32> to vector<1x16xf32>
      tpu.vector_store %arg7[%parallel_loop3A_133, %parallel_loop3A_134], %parallel_loop3A_137 {strides = array<i32>} : memref<400x128xf32, #tpu.memory_space<vmem>>, vector<1x16xf32>,
      %parallel_loop3A_138 = arith.index_cast %parallel_loop3A_118 : i32 to index
      %parallel_loop3A_139 = arith.constant 16 : index
      %parallel_loop3A_140 = tpu.vector_load %arg7[%parallel_loop3A_138, %parallel_loop3A_139] {strides = array<i32>} : memref<400x128xf32, #tpu.memory_space<vmem>>, vector<1x16xf32>,
      %parallel_loop3A_141 = vector.shape_cast %parallel_loop3A_140 : vector<1x16xf32> to vector<16xf32>
      %parallel_loop3A_142 = arith.constant 11.3137083 : f32
      %parallel_loop3A_143 = vector.broadcast %parallel_loop3A_142 : f32 to vector<16xf32>
      %parallel_loop3A_144 = arith.mulf %parallel_loop3A_141, %parallel_loop3A_143 : vector<16xf32>
      %parallel_loop3A_145 = arith.constant 100 : i32
      %parallel_loop3A_146 = arith.addi %parallel_loop3A_145, %parallel_loop3A_116 : i32
      %parallel_loop3A_147 = arith.index_cast %parallel_loop3A_146 : i32 to index
      %parallel_loop3A_148 = arith.constant 16 : index
      %parallel_loop3A_149 = tpu.vector_load %arg8[%parallel_loop3A_147, %parallel_loop3A_148] {strides = array<i32>} : memref<200x128xf32, #tpu.memory_space<vmem>>, vector<1x16xf32>,
      %parallel_loop3A_150 = vector.shape_cast %parallel_loop3A_149 : vector<1x16xf32> to vector<16xf32>
      %parallel_loop3A_151 = arith.addf %parallel_loop3A_144, %parallel_loop3A_150 : vector<16xf32>
      %parallel_loop3A_152 = arith.index_cast %parallel_loop3A_118 : i32 to index
      %parallel_loop3A_153 = arith.constant 16 : index
      %parallel_loop3A_154 = tpu.vector_load %arg7[%parallel_loop3A_152, %parallel_loop3A_153] {strides = array<i32>} : memref<400x128xf32, #tpu.memory_space<vmem>>, vector<1x16xf32>,
      %parallel_loop3A_155 = vector.shape_cast %parallel_loop3A_154 : vector<1x16xf32> to vector<16xf32>
      %parallel_loop3A_156 = vector.shape_cast %parallel_loop3A_151 : vector<16xf32> to vector<1x16xf32>
      tpu.vector_store %arg7[%parallel_loop3A_152, %parallel_loop3A_153], %parallel_loop3A_156 {strides = array<i32>} : memref<400x128xf32, #tpu.memory_space<vmem>>, vector<1x16xf32>,
      %parallel_loop3A_157 = arith.index_cast %parallel_loop3A_118 : i32 to index
      %parallel_loop3A_158 = arith.constant 32 : index
      %parallel_loop3A_159 = tpu.vector_load %arg7[%parallel_loop3A_157, %parallel_loop3A_158] {strides = array<i32>} : memref<400x128xf32, #tpu.memory_space<vmem>>, vector<1x16xf32>,
      %parallel_loop3A_160 = vector.shape_cast %parallel_loop3A_159 : vector<1x16xf32> to vector<16xf32>
      %parallel_loop3A_161 = arith.constant 11.3137083 : f32
      %parallel_loop3A_162 = vector.broadcast %parallel_loop3A_161 : f32 to vector<16xf32>
      %parallel_loop3A_163 = arith.mulf %parallel_loop3A_160, %parallel_loop3A_162 : vector<16xf32>
      %parallel_loop3A_164 = arith.constant 100 : i32
      %parallel_loop3A_165 = arith.addi %parallel_loop3A_164, %parallel_loop3A_116 : i32
      %parallel_loop3A_166 = arith.index_cast %parallel_loop3A_165 : i32 to index
      %parallel_loop3A_167 = arith.constant 32 : index
      %parallel_loop3A_168 = tpu.vector_load %arg8[%parallel_loop3A_166, %parallel_loop3A_167] {strides = array<i32>} : memref<200x128xf32, #tpu.memory_space<vmem>>, vector<1x16xf32>,
      %parallel_loop3A_169 = vector.shape_cast %parallel_loop3A_168 : vector<1x16xf32> to vector<16xf32>
      %parallel_loop3A_170 = arith.addf %parallel_loop3A_163, %parallel_loop3A_169 : vector<16xf32>
      %parallel_loop3A_171 = arith.index_cast %parallel_loop3A_118 : i32 to index
      %parallel_loop3A_172 = arith.constant 32 : index
      %parallel_loop3A_173 = tpu.vector_load %arg7[%parallel_loop3A_171, %parallel_loop3A_172] {strides = array<i32>} : memref<400x128xf32, #tpu.memory_space<vmem>>, vector<1x16xf32>,
      %parallel_loop3A_174 = vector.shape_cast %parallel_loop3A_173 : vector<1x16xf32> to vector<16xf32>
      %parallel_loop3A_175 = vector.shape_cast %parallel_loop3A_170 : vector<16xf32> to vector<1x16xf32>
      tpu.vector_store %arg7[%parallel_loop3A_171, %parallel_loop3A_172], %parallel_loop3A_175 {strides = array<i32>} : memref<400x128xf32, #tpu.memory_space<vmem>>, vector<1x16xf32>,
      %parallel_loop3A_176 = arith.index_cast %parallel_loop3A_118 : i32 to index
      %parallel_loop3A_177 = arith.constant 48 : index
      %parallel_loop3A_178 = tpu.vector_load %arg7[%parallel_loop3A_176, %parallel_loop3A_177] {strides = array<i32>} : memref<400x128xf32, #tpu.memory_space<vmem>>, vector<1x16xf32>,
      %parallel_loop3A_179 = vector.shape_cast %parallel_loop3A_178 : vector<1x16xf32> to vector<16xf32>
      %parallel_loop3A_180 = arith.constant 11.3137083 : f32
      %parallel_loop3A_181 = vector.broadcast %parallel_loop3A_180 : f32 to vector<16xf32>
      %parallel_loop3A_182 = arith.mulf %parallel_loop3A_179, %parallel_loop3A_181 : vector<16xf32>
      %parallel_loop3A_183 = arith.constant 100 : i32
      %parallel_loop3A_184 = arith.addi %parallel_loop3A_183, %parallel_loop3A_116 : i32
      %parallel_loop3A_185 = arith.index_cast %parallel_loop3A_184 : i32 to index
      %parallel_loop3A_186 = arith.constant 48 : index
      %parallel_loop3A_187 = tpu.vector_load %arg8[%parallel_loop3A_185, %parallel_loop3A_186] {strides = array<i32>} : memref<200x128xf32, #tpu.memory_space<vmem>>, vector<1x16xf32>,
      %parallel_loop3A_188 = vector.shape_cast %parallel_loop3A_187 : vector<1x16xf32> to vector<16xf32>
      %parallel_loop3A_189 = arith.addf %parallel_loop3A_182, %parallel_loop3A_188 : vector<16xf32>
      %parallel_loop3A_190 = arith.index_cast %parallel_loop3A_118 : i32 to index
      %parallel_loop3A_191 = arith.constant 48 : index
      %parallel_loop3A_192 = tpu.vector_load %arg7[%parallel_loop3A_190, %parallel_loop3A_191] {strides = array<i32>} : memref<400x128xf32, #tpu.memory_space<vmem>>, vector<1x16xf32>,
      %parallel_loop3A_193 = vector.shape_cast %parallel_loop3A_192 : vector<1x16xf32> to vector<16xf32>
      %parallel_loop3A_194 = vector.shape_cast %parallel_loop3A_189 : vector<16xf32> to vector<1x16xf32>
      tpu.vector_store %arg7[%parallel_loop3A_190, %parallel_loop3A_191], %parallel_loop3A_194 {strides = array<i32>} : memref<400x128xf32, #tpu.memory_space<vmem>>, vector<1x16xf32>,
      %parallel_loop3A_195 = arith.index_cast %parallel_loop3A_118 : i32 to index
      %parallel_loop3A_196 = arith.constant 64 : index
      %parallel_loop3A_197 = tpu.vector_load %arg7[%parallel_loop3A_195, %parallel_loop3A_196] {strides = array<i32>} : memref<400x128xf32, #tpu.memory_space<vmem>>, vector<1x16xf32>,
      %parallel_loop3A_198 = vector.shape_cast %parallel_loop3A_197 : vector<1x16xf32> to vector<16xf32>
      %parallel_loop3A_199 = arith.constant 11.3137083 : f32
      %parallel_loop3A_200 = vector.broadcast %parallel_loop3A_199 : f32 to vector<16xf32>
      %parallel_loop3A_201 = arith.mulf %parallel_loop3A_198, %parallel_loop3A_200 : vector<16xf32>
      %parallel_loop3A_202 = arith.constant 100 : i32
      %parallel_loop3A_203 = arith.addi %parallel_loop3A_202, %parallel_loop3A_116 : i32
      %parallel_loop3A_204 = arith.index_cast %parallel_loop3A_203 : i32 to index
      %parallel_loop3A_205 = arith.constant 64 : index
      %parallel_loop3A_206 = tpu.vector_load %arg8[%parallel_loop3A_204, %parallel_loop3A_205] {strides = array<i32>} : memref<200x128xf32, #tpu.memory_space<vmem>>, vector<1x16xf32>,
      %parallel_loop3A_207 = vector.shape_cast %parallel_loop3A_206 : vector<1x16xf32> to vector<16xf32>
      %parallel_loop3A_208 = arith.addf %parallel_loop3A_201, %parallel_loop3A_207 : vector<16xf32>
      %parallel_loop3A_209 = arith.index_cast %parallel_loop3A_118 : i32 to index
      %parallel_loop3A_210 = arith.constant 64 : index
      %parallel_loop3A_211 = tpu.vector_load %arg7[%parallel_loop3A_209, %parallel_loop3A_210] {strides = array<i32>} : memref<400x128xf32, #tpu.memory_space<vmem>>, vector<1x16xf32>,
      %parallel_loop3A_212 = vector.shape_cast %parallel_loop3A_211 : vector<1x16xf32> to vector<16xf32>
      %parallel_loop3A_213 = vector.shape_cast %parallel_loop3A_208 : vector<16xf32> to vector<1x16xf32>
      tpu.vector_store %arg7[%parallel_loop3A_209, %parallel_loop3A_210], %parallel_loop3A_213 {strides = array<i32>} : memref<400x128xf32, #tpu.memory_space<vmem>>, vector<1x16xf32>,
      %parallel_loop3A_214 = arith.index_cast %parallel_loop3A_118 : i32 to index
      %parallel_loop3A_215 = arith.constant 80 : index
      %parallel_loop3A_216 = tpu.vector_load %arg7[%parallel_loop3A_214, %parallel_loop3A_215] {strides = array<i32>} : memref<400x128xf32, #tpu.memory_space<vmem>>, vector<1x16xf32>,
      %parallel_loop3A_217 = vector.shape_cast %parallel_loop3A_216 : vector<1x16xf32> to vector<16xf32>
      %parallel_loop3A_218 = arith.constant 11.3137083 : f32
      %parallel_loop3A_219 = vector.broadcast %parallel_loop3A_218 : f32 to vector<16xf32>
      %parallel_loop3A_220 = arith.mulf %parallel_loop3A_217, %parallel_loop3A_219 : vector<16xf32>
      %parallel_loop3A_221 = arith.constant 100 : i32
      %parallel_loop3A_222 = arith.addi %parallel_loop3A_221, %parallel_loop3A_116 : i32
      %parallel_loop3A_223 = arith.index_cast %parallel_loop3A_222 : i32 to index
      %parallel_loop3A_224 = arith.constant 80 : index
      %parallel_loop3A_225 = tpu.vector_load %arg8[%parallel_loop3A_223, %parallel_loop3A_224] {strides = array<i32>} : memref<200x128xf32, #tpu.memory_space<vmem>>, vector<1x16xf32>,
      %parallel_loop3A_226 = vector.shape_cast %parallel_loop3A_225 : vector<1x16xf32> to vector<16xf32>
      %parallel_loop3A_227 = arith.addf %parallel_loop3A_220, %parallel_loop3A_226 : vector<16xf32>
      %parallel_loop3A_228 = arith.index_cast %parallel_loop3A_118 : i32 to index
      %parallel_loop3A_229 = arith.constant 80 : index
      %parallel_loop3A_230 = tpu.vector_load %arg7[%parallel_loop3A_228, %parallel_loop3A_229] {strides = array<i32>} : memref<400x128xf32, #tpu.memory_space<vmem>>, vector<1x16xf32>,
      %parallel_loop3A_231 = vector.shape_cast %parallel_loop3A_230 : vector<1x16xf32> to vector<16xf32>
      %parallel_loop3A_232 = vector.shape_cast %parallel_loop3A_227 : vector<16xf32> to vector<1x16xf32>
      tpu.vector_store %arg7[%parallel_loop3A_228, %parallel_loop3A_229], %parallel_loop3A_232 {strides = array<i32>} : memref<400x128xf32, #tpu.memory_space<vmem>>, vector<1x16xf32>,
      %parallel_loop3A_233 = arith.index_cast %parallel_loop3A_118 : i32 to index
      %parallel_loop3A_234 = arith.constant 96 : index
      %parallel_loop3A_235 = tpu.vector_load %arg7[%parallel_loop3A_233, %parallel_loop3A_234] {strides = array<i32>} : memref<400x128xf32, #tpu.memory_space<vmem>>, vector<1x16xf32>,
      %parallel_loop3A_236 = vector.shape_cast %parallel_loop3A_235 : vector<1x16xf32> to vector<16xf32>
      %parallel_loop3A_237 = arith.constant 11.3137083 : f32
      %parallel_loop3A_238 = vector.broadcast %parallel_loop3A_237 : f32 to vector<16xf32>
      %parallel_loop3A_239 = arith.mulf %parallel_loop3A_236, %parallel_loop3A_238 : vector<16xf32>
      %parallel_loop3A_240 = arith.constant 100 : i32
      %parallel_loop3A_241 = arith.addi %parallel_loop3A_240, %parallel_loop3A_116 : i32
      %parallel_loop3A_242 = arith.index_cast %parallel_loop3A_241 : i32 to index
      %parallel_loop3A_243 = arith.constant 96 : index
      %parallel_loop3A_244 = tpu.vector_load %arg8[%parallel_loop3A_242, %parallel_loop3A_243] {strides = array<i32>} : memref<200x128xf32, #tpu.memory_space<vmem>>, vector<1x16xf32>,
      %parallel_loop3A_245 = vector.shape_cast %parallel_loop3A_244 : vector<1x16xf32> to vector<16xf32>
      %parallel_loop3A_246 = arith.addf %parallel_loop3A_239, %parallel_loop3A_245 : vector<16xf32>
      %parallel_loop3A_247 = arith.index_cast %parallel_loop3A_118 : i32 to index
      %parallel_loop3A_248 = arith.constant 96 : index
      %parallel_loop3A_249 = tpu.vector_load %arg7[%parallel_loop3A_247, %parallel_loop3A_248] {strides = array<i32>} : memref<400x128xf32, #tpu.memory_space<vmem>>, vector<1x16xf32>,
      %parallel_loop3A_250 = vector.shape_cast %parallel_loop3A_249 : vector<1x16xf32> to vector<16xf32>
      %parallel_loop3A_251 = vector.shape_cast %parallel_loop3A_246 : vector<16xf32> to vector<1x16xf32>
      tpu.vector_store %arg7[%parallel_loop3A_247, %parallel_loop3A_248], %parallel_loop3A_251 {strides = array<i32>} : memref<400x128xf32, #tpu.memory_space<vmem>>, vector<1x16xf32>,
      %parallel_loop3A_252 = arith.index_cast %parallel_loop3A_118 : i32 to index
      %parallel_loop3A_253 = arith.constant 112 : index
      %parallel_loop3A_254 = tpu.vector_load %arg7[%parallel_loop3A_252, %parallel_loop3A_253] {strides = array<i32>} : memref<400x128xf32, #tpu.memory_space<vmem>>, vector<1x16xf32>,
      %parallel_loop3A_255 = vector.shape_cast %parallel_loop3A_254 : vector<1x16xf32> to vector<16xf32>
      %parallel_loop3A_256 = arith.constant 11.3137083 : f32
      %parallel_loop3A_257 = vector.broadcast %parallel_loop3A_256 : f32 to vector<16xf32>
      %parallel_loop3A_258 = arith.mulf %parallel_loop3A_255, %parallel_loop3A_257 : vector<16xf32>
      %parallel_loop3A_259 = arith.constant 100 : i32
      %parallel_loop3A_260 = arith.addi %parallel_loop3A_259, %parallel_loop3A_116 : i32
      %parallel_loop3A_261 = arith.index_cast %parallel_loop3A_260 : i32 to index
      %parallel_loop3A_262 = arith.constant 112 : index
      %parallel_loop3A_263 = tpu.vector_load %arg8[%parallel_loop3A_261, %parallel_loop3A_262] {strides = array<i32>} : memref<200x128xf32, #tpu.memory_space<vmem>>, vector<1x16xf32>,
      %parallel_loop3A_264 = vector.shape_cast %parallel_loop3A_263 : vector<1x16xf32> to vector<16xf32>
      %parallel_loop3A_265 = arith.addf %parallel_loop3A_258, %parallel_loop3A_264 : vector<16xf32>
      %parallel_loop3A_266 = arith.index_cast %parallel_loop3A_118 : i32 to index
      %parallel_loop3A_267 = arith.constant 112 : index
      %parallel_loop3A_268 = tpu.vector_load %arg7[%parallel_loop3A_266, %parallel_loop3A_267] {strides = array<i32>} : memref<400x128xf32, #tpu.memory_space<vmem>>, vector<1x16xf32>,
      %parallel_loop3A_269 = vector.shape_cast %parallel_loop3A_268 : vector<1x16xf32> to vector<16xf32>
      %parallel_loop3A_270 = vector.shape_cast %parallel_loop3A_265 : vector<16xf32> to vector<1x16xf32>
      tpu.vector_store %arg7[%parallel_loop3A_266, %parallel_loop3A_267], %parallel_loop3A_270 {strides = array<i32>} : memref<400x128xf32, #tpu.memory_space<vmem>>, vector<1x16xf32>,
    } {sc.loop_unroll_factor = 1 : i64, sc.parallel_access}
    "tpu.region"() ({
      %run_scoped3A = tpu.sem_alloc : memref<!tpu.dma_semaphore, #tpu.memory_space<semaphore_mem>>
      %dma_start3A_116 = arith.constant 0 : i32
      %dma_start3A_117 = tpu.memref_slice %arg5[%mul3A_2, %dma_start3A_116] : memref<12800x128xf32, #tpu.memory_space<hbm>> -> memref<400x128xf32, #tpu.memory_space<hbm>>
      %dma_start3A_118 = arith.constant 0 : i32
      %dma_start3A_119 = tpu.memref_slice %arg5[%mul3A_2, %dma_start3A_118] : memref<12800x128xf32, #tpu.memory_space<hbm>> -> memref<400x128xf32, #tpu.memory_space<hbm>>
      tpu.enqueue_dma source(%arg7 : memref<400x128xf32, #tpu.memory_space<vmem>>) target(%dma_start3A_119 : memref<400x128xf32, #tpu.memory_space<hbm>>) target_semaphore(%run_scoped3A : memref<!tpu.dma_semaphore, #tpu.memory_space<semaphore_mem>>)
      %dma_wait3A_120 = arith.constant 0 : i32
      %dma_wait3A_121 = tpu.memref_slice %arg5[%mul3A_2, %dma_wait3A_120] : memref<12800x128xf32, #tpu.memory_space<hbm>> -> memref<400x128xf32, #tpu.memory_space<hbm>>
      %dma_wait3A_122 = arith.constant 0 : i32
      %dma_wait3A_123 = tpu.memref_slice %arg5[%mul3A_2, %dma_wait3A_122] : memref<12800x128xf32, #tpu.memory_space<hbm>> -> memref<400x128xf32, #tpu.memory_space<hbm>>
      tpu.wait_dma2 semaphore(%run_scoped3A : memref<!tpu.dma_semaphore, #tpu.memory_space<semaphore_mem>>) src(%arg7 : memref<400x128xf32, #tpu.memory_space<vmem>>) dst(%dma_wait3A_123 : memref<400x128xf32, #tpu.memory_space<hbm>>)
      tpu.yield
    }) : () -> ()
    return
  }
}

module attributes {stable_mosaic.version = 14 : i64} {
  func.func @body(%arg0: i32, %arg1: memref<16384x128xf32, #tpu.memory_space<vmem>>, %arg2: memref<16384x128xf32, #tpu.memory_space<vmem>>) attributes {dimension_semantics = [#tpu.dimension_semantics<arbitrary>], iteration_bounds = array<i64: 7>, scalar_prefetch = 0 : i64, scratch_operands = 0 : i64, tpu.core_type = #tpu.core_type<tc>, window_params = [{transform_indices = @transform_0, window_bounds = array<i64: 16384, 128>}, {transform_indices = @transform_1, window_bounds = array<i64: 16384, 128>}]} {
    %get3A = arith.constant 0 : index
    %get3A_0 = arith.constant 0 : index
    %get3A_1 = vector.load %arg1[%get3A, %get3A_0] : memref<16384x128xf32, #tpu.memory_space<vmem>>, vector<16384x128xf32>
    %swap3A = arith.constant 0 : index
    %swap3A_2 = arith.constant 0 : index
    %swap3A_3 = vector.load %arg2[%swap3A, %swap3A_2] : memref<16384x128xf32, #tpu.memory_space<vmem>>, vector<16384x128xf32>
    tpu.vector_store %arg2[%swap3A, %swap3A_2], %get3A_1 {strides = array<i32>} : memref<16384x128xf32, #tpu.memory_space<vmem>>, vector<16384x128xf32>,
    return
  }
  func.func @transform_0(%arg0: i32) -> (i32, i32) {
    %c0_i32 = arith.constant 0 : i32
    %c0_i32_0 = arith.constant 0 : i32
    return %arg0, %c0_i32 : i32, i32
  }
  func.func @transform_1(%arg0: i32) -> (i32, i32) {
    %c0_i32 = arith.constant 0 : i32
    %c0_i32_0 = arith.constant 0 : i32
    return %arg0, %c0_i32 : i32, i32
  }
}

</mosaic_0001>

<sc_bundles>
// kernel: kernel.4.cloned.1.call-start
scs
__scs_entry_jumppad:
0x0: {  	(pc) =	sbr.rel $0x88, $3  }
0x1: {  	(tag) =	ssettag $0x0;
	lr =	simm.s32 $0x1  }
0x2: {  	[smem:$0x3F9E] =	sst lr;
	_ =	strace $0xD0000000  }
0x3: {  	_ = 	snop  }
0x4: {  	_ = 	snop  }
0x5: {  	_ = 	snop  }
0x6: {  	_ = 	snop  }
0x7: {  	_ = 	snop  }
__scs_overlays_trampoline_lowered:
0x8: {  	[smem:$0x3FAD] =	sst s0  }
0x9: {  	[smem:$0x3FAE] =	sst s1  }
0xa: {  	[smem:$0x3FAF] =	sst s2  }
0xb: {  	[smem:$0x3FB0] =	sst s3  }
0xc: {  	[smem:$0x3FB1] =	sst s4  }
0xd: {  	[smem:$0x3FB2] =	sst s5  }
0xe: {  	[smem:$0x3FB3] =	sst s6  }
0xf: {  	[smem:$0x3FB4] =	sst s7  }
0x10: {  	[smem:$0x3FB5] =	sst s8  }
0x11: {  	[smem:$0x3FB6] =	sst s9;
	s0 =	simm.s32 @!p0 $0x0  }
0x12: {  	s1 =	sld [smem:$0x3F9C];
	s0 =	simm.s32 @p0 $0x1  }
0x13: {  	[smem:$0x3FB7] =	sst s0;
	s0 =	simm.s32 @!p1 $0x0  }
0x14: {  	s2 =	sld [smem:$0x3F9B];
	s0 =	simm.s32 @p1 $0x1  }
0x15: {  	[smem:$0x3FB8] =	sst s0;
	s0 =	simm.s32 @!p2 $0x0  }
0x16: {  	s3 =	sld [smem:$0x3FDB];
	s0 =	simm.s32 @p2 $0x1  }
0x17: {  	s4 =	simm.s32 $0x1BF5;
	[smem:$0x3FBA] =	sst s0  }
0x18: {  	s0 =	sld [smem:$0x3F9D];
	_ =	swait.ge [sflag:s4], $0x0  }
0x19: {  	s7 =	sld [smem:$0x3F9E]  }
0x1a: {  	s8 =	sadd.s32 $0xFFFFE003, lr  }
0x1b: {  	s9 =	sadd.s32 $0xFFFFFEF7, lr;
	s5 =	simm.s32 $0xFFFFFFFF;
	p2 =	slt.u32 s8, $0xFFFFF086  }
0x1c: {  	p1 =	slt.u32 s9, $0xF7A;
	s5 =	simm.s32 @!p2 $0x0  }
0x1d: {  	s5 =	simm.s32 @p1 $0x1;
	p0 =	seq.s32 s7, s2  }
0x1e: {  	s7 =	smul.u32 @!p0 $0xF7A, s2;
	p2 =	seq.s32 @!p0 s5, $0x0  }
0x1f: {  	s9 =	smul.u32 $0xF7A, s1;
	s8 =	simm.s32 @!p0 $0x1BF5;
	p2 =	por !p2, p0  }
0x20: {  	[sflag:s8] =	ssyncset.s32 @!p0 $0xFFFFF086;
	s6 =	sadd.s32 @!p0 s3, s7;
	s7 =	simm.s32 @!p0 $0x108  }
0x21: {  	s3 =	sadd.s32 s3, s9;
	s6 =	sadd.s32 @!p0 $0x88, s6;
	s7 =	simm.s32 @p2 $0x1082  }
0x22: {  	[simem:s7], [sflag:s8] =	dma.local @!p0 [hbm:s6], $0xF7A  }
0x23: {  	s9 =	sor.u32 $0xD0000000, s2;
	s6 =	simm.s32 $0x108;
	_ =	swait.ge @!p0 [sflag:s8], $0x0  }
0x24: {  	s3 =	sadd.s32 $0x88, s3;
	s6 =	simm.s32 @!p1 $0x1082;
	[sflag:s4] =	ssyncset.s32 $0xFFFFF086  }
0x25: {  	[simem:s6], [sflag:s4] =	dma.local [hbm:s3], $0xF7A  }
0x26: {  	[smem:$0x3F9E] =	sst s1;
	(tag) =	ssettag s2;
	_ =	strace s9  }
0x27: {  	s1 =	sld [smem:$0x3FAE]  }
0x28: {  	s2 =	sld [smem:$0x3FAF]  }
0x29: {  	s4 =	sld [smem:$0x3FB1]  }
0x2a: {  	p0 =	seq.s32 s5, $0x0;
	s5 =	sld [smem:$0x3FB2]  }
0x2b: {  	s6 =	sld [smem:$0x3FB3]  }
0x2c: {  	s7 =	sld [smem:$0x3FB4]  }
0x2d: {  	s3 =	simm.s32 $0x108;
	s8 =	sld [smem:$0x3FB5]  }
0x2e: {  	s3 =	simm.s32 @!p0 $0x1082;
	s9 =	sld [smem:$0x3FB6]  }
0x2f: {  	lr =	sadd.s32 s0, s3;
	s0 =	sld [smem:$0x3FAD]  }
0x30: {  	s3 =	sld [smem:$0x3FB0]  }
0x31: {  	[smem:$0x3FB9] =	sst s10  }
0x32: {  	s10 =	sld [smem:$0x3FB7];
	_ =	sdelay $0x3  }
0x33: {  	p0 =	seq.s32 s10, $0x1;
	s10 =	sld [smem:$0x3FB9];
	_ =	sdelay $0x3  }
0x34: {  	[smem:$0x3FB9] =	sst s10  }
0x35: {  	s10 =	sld [smem:$0x3FB8];
	_ =	sdelay $0x3  }
0x36: {  	p1 =	seq.s32 s10, $0x1;
	s10 =	sld [smem:$0x3FB9];
	_ =	sdelay $0x3  }
0x37: {  	[smem:$0x3FB9] =	sst s10  }
0x38: {  	s10 =	sld [smem:$0x3FBA]  }
0x39: {  	_ = 	snop;
	(pc) =	sbr.ind lr, $3  }
0x3a: {  	_ = 	snop  }
0x3b: {  	_ = 	snop  }
0x3c: {  	p2 =	seq.s32 s10, $0x1;
	s10 =	sld [smem:$0x3FB9]  }
0x3d: {  	_ =	shalt  }
0x3e: {  	_ =	shalt  }
0x3f: {  	_ =	shalt  }
0x40: {  	_ =	shalt  }
0x41: {  	_ =	shalt  }
0x42: {  	_ =	shalt  }
0x43: {  	_ =	shalt  }
0x44: {  	_ =	shalt  }
0x45: {  	_ =	shalt  }
0x46: {  	_ =	shalt  }
0x47: {  	_ =	shalt  }
0x48: {  	_ =	shalt  }
0x49: {  	_ =	shalt  }
0x4a: {  	_ =	shalt  }
0x4b: {  	_ =	shalt  }
0x4c: {  	_ =	shalt  }
0x4d: {  	_ =	shalt  }
0x4e: {  	_ =	shalt  }
0x4f: {  	_ =	shalt  }
0x50: {  	_ =	shalt  }
0x51: {  	_ =	shalt  }
0x52: {  	_ =	shalt  }
0x53: {  	_ =	shalt  }
0x54: {  	_ =	shalt  }
0x55: {  	_ =	shalt  }
0x56: {  	_ =	shalt  }
0x57: {  	_ =	shalt  }
0x58: {  	_ =	shalt  }
0x59: {  	_ =	shalt  }
0x5a: {  	_ =	shalt  }
0x5b: {  	_ =	shalt  }
0x5c: {  	_ =	shalt  }
0x5d: {  	_ =	shalt  }
0x5e: {  	_ =	shalt  }
0x5f: {  	_ =	shalt  }
0x60: {  	_ =	shalt  }
0x61: {  	_ =	shalt  }
0x62: {  	_ =	shalt  }
0x63: {  	_ =	shalt  }
0x64: {  	_ =	shalt  }
0x65: {  	_ =	shalt  }
0x66: {  	_ =	shalt  }
0x67: {  	_ =	shalt  }
0x68: {  	_ =	shalt  }
0x69: {  	_ =	shalt  }
0x6a: {  	_ =	shalt  }
0x6b: {  	_ =	shalt  }
0x6c: {  	_ =	shalt  }
0x6d: {  	_ =	shalt  }
0x6e: {  	_ =	shalt  }
0x6f: {  	_ =	shalt  }
0x70: {  	_ =	shalt  }
0x71: {  	_ =	shalt  }
0x72: {  	_ =	shalt  }
0x73: {  	_ =	shalt  }
0x74: {  	_ =	shalt  }
0x75: {  	_ =	shalt  }
0x76: {  	_ =	shalt  }
0x77: {  	_ =	shalt  }
0x78: {  	_ =	shalt  }
0x79: {  	_ =	shalt  }
0x7a: {  	_ =	shalt  }
0x7b: {  	_ =	shalt  }
0x7c: {  	_ =	shalt  }
0x7d: {  	_ =	shalt  }
0x7e: {  	_ =	shalt  }
0x7f: {  	_ =	shalt  }
0x80: {  	_ =	shalt  }
0x81: {  	_ =	shalt  }
0x82: {  	_ =	shalt  }
0x83: {  	_ =	shalt  }
0x84: {  	_ =	shalt  }
0x85: {  	_ =	shalt  }
0x86: {  	_ =	shalt  }
0x87: {  	_ =	shalt  }
.Lfunc_end0:
.L_simem_size_0:
called_computation_lowered:
.L_overlay_start_0:
0x88: {  	s2 =	sld [smem:$0x3FD9]  }
0x89: {  	s3 =	sld [smem:$0x3FFE];
	_ =	sdelay $0x1  }
0x8a: {  	s1 =	srdreg.scid  }
0x8b: {  	s0 =	sand.u32 $0x1, s1  }
0x8c: {  	s14 =	sshll.u32 s0, $0xA;
	s2 =	sadd.s32 s3, s2  }
0x8d: {  	s2 =	sadd.s32 s2, s14  }
0x8e: {  	[smem:$0x3FC5] =	sst s2  }
0x8f: {  	_ = 	snop  }
0x90: {  	s2 =	sld [smem:$0x3FD0];
	_ =	sdelay $0x2  }
0x91: {  	s4 =	simm.s32 $0xA;
	s5 =	simm.s32 $0x10;
	s15 =	sld [smem:$0x3FC8]  }
0x92: {  	[smem:s5], [sflag:s4] =	dma.local [hbm:s2], $0x1  }
0x93: {  	_ =	swait.eq [sflag:s4], $0x1  }
0x94: {  	[sflag:s4] =	ssyncset.done $0x0  }
0x95: {  	[sflag:s4] =	ssyncadd.s32 $0xFFFFFFFF  }
0x96: {  	s16 =	sld [smem:$0x10];
	(tm) =	ssettm $0x1  }
0x97: {  	s17 =	sld [smem:$0x3FFB];
	_ =	sdelay $0x3  }
0x98: {  	_ =	strace s17  }
0x99: {  	s4 =	sld [smem:$0x3FFC];
	_ =	sdelay $0x3  }
0x9a: {  	_ =	strace s4  }
0x9b: {  	s4 =	sld [smem:$0x3FFD];
	_ =	sdelay $0x3  }
0x9c: {  	_ =	strace s4  }
0x9d: {  	_ =	strace $0x8FFFFFFF  }
0x9e: {  	s18 =	sld [smem:$0x3FDB];
	_ =	sdelay $0x1  }
0x9f: {  	s19 =	simm.s32 $_scs_section_size  }
0xa0: {  	s6 =	simm.s32 $_size__tile_overlayer_lowered;
	s7 =	simm.s32 $_tile_overlayer_lowered  }
0xa1: {  	s22 =	simm.s32 $0x1BFF;
	s21 =	sshll.u32 s7, $0x1;
	s4 =	sadd.s32 s19, s18  }
0xa2: {  	s8 =	simm.s32 $0x0;
	s20 =	sshll.u32 s6, $0x1;
	s6 =	sadd.s32 s21, s4  }
0xa3: {  	[timem:s8], [sflag:s22] =	dma.local [hbm:s6], s20  }
0xa4: {  	_ =	swait.ge [sflag:s22], s20  }
0xa5: {  	s5 =	ssub.s32 $0x0, s20;
	[sflag:s22] =	ssyncset.done $0x0  }
0xa6: {  	[sflag:s22] =	ssyncadd.s32 s5;
	_ =	sdelay $0x1  }
0xa7: {  	s23 =	simm.s32 $0x1B8B  }
0xa8: {  	_ =	swait.ge [sflag:s23], $0x1  }
0xa9: {  	[sflag:s23] =	ssyncset.done $0x0  }
0xaa: {  	s25 =	simm.s32 $0x1B8E;
	s24 =	sld [smem:$0x3FFE];
	[sflag:s23] =	ssyncadd.s32 $0xFFFFFFFF  }
0xab: {  	s26 =	simm.s32 $execute0_lowered;
	[smem:$0x3FD2] =	sst s25  }
0xac: {  	s6 =	sshll.u32 s26, $0x1;
	_ =	strace $0x80000046;
	[dreg:$0x1] =	wrdreg $0xFFFFFFFF  }
0xad: {  	s28 =	simm.s32 $_size_execute0_lowered;
	s4 =	sadd.s32 s4, s6;
	[dreg:$0x0] =	wrdreg $0x0  }
0xae: {  	s6 =	sshll.u32 s28, $0x1;
	[dreg:$0x2] =	wrdreg s4  }
0xaf: {  	[dreg:$0x3] =	wrdreg s6  }
0xb0: {  	[dreg:$0x4] =	wrdreg $0xC0  }
0xb1: {  	_ =	task [dreg:s8], $0x5FFFF  }
0xb2: {  	[dreg:$0x1] =	wrdreg $0xFFFFFFFF  }
0xb3: {  	[dreg:$0x0] =	wrdreg $0x60  }
0xb4: {  	[dreg:$0x2] =	wrdreg s15  }
0xb5: {  	[dreg:$0x3] =	wrdreg s24  }
0xb6: {  	[dreg:$0x4] =	wrdreg s16  }
0xb7: {  	[dreg:$0x5] =	wrdreg $0x9  }
0xb8: {  	_ =	task.clear_ibuf [dreg:s8], $0x6FFFF;
	_ =	strace $0x90000046  }
0xb9: {  	s29 =	simm.s32 $0x9;
	_ =	strace $0x80000048  }
0xba: {  	_ =	swait.ge [sflag:s29], $0x1  }
0xbb: {  	[sflag:s29] =	ssyncadd.s32 $0xFFFFFFFF  }
0xbc: {  	_ =	strace $0x90000048  }
0xbd: {  	_ =	sfence  }
0xbe: {  	s30 =	sld [smem:$0x0];
	_ =	sdelay $0x2  }
0xbf: {  	s31 =	sshll.u32 s1, $0xD;
	s1 =	sshrl.u32 s1, $0x2  }
0xc0: {  	s3 =	sand.u32 $0x4000, s31;
	s1 =	sadd.s32 s1, s30  }
0xc1: {  	s0 =	sor.u32 s3, s0;
	s1 =	sshll.u32 s1, $0x11  }
0xc2: {  	s0 =	sor.u32 s1, s0  }
0xc3: {  	s0 =	sadd.s32 $0x8F2B, s0  }
0xc4: {  	[sflag:s0] =	ssyncadd.remote.s32 $0x1  }
0xc5: {  	_ =	sfence.sel $0xFFFF  }
0xc6: {  	[dreg:$0x0] =	wrdreg $0xFFFFFFFF;
	(pc) =	sbr.abs _section_cstart, $3  }
0xc7: {  	[dreg:$0x1] =	wrdreg $0xFFFFFFFF  }
0xc8: {  	_ =	task.clear_ibuf [dreg:s8], $0x2FFFF;
	_ =	strace $0x9FFFFFFF  }
0xc9: {  	(tm) =	ssettm $0x7FFFFFFF  }
tec
execute0_lowered:
.L_overlay_start_1:
0x0: {  	(tag) =	ssettag $0x1  }
0x1: {  	s1 =	rddreg [dreg:$0x0]  }
0x2: {  	s4 =	rddreg [dreg:$0x1]  }
0x3: {  	s6 =	rddreg [dreg:$0x2]  }
0x4: {  	s0 =	rddreg [dreg:$0x3];
	s5 =	srdreg.scid  }
0x5: {  	s2 =	stileid.u32;
	s3 =	simm.s32 $0x0;
	s10 =	simm.s32 $0x64  }
0x6: {  	s11 =	simm.s32 $0x200;
	s12 =	simm.s32 $0x80;
	s13 =	simm.s32 $0x3400  }
0x7: {  	s14 =	simm.s32 $0x100;
	s15 =	simm.s32 $0x6600;
	s16 =	simm.s32 $0x180  }
0x8: {  	s17 =	simm.s32 $0x9800;
	s18 =	simm.s32 $0x5;
	s19 =	simm.s32 $0x1  }
0x9: {  	s20 =	simm.s32 $0x2;
	s21 =	simm.s32 $0x3;
	s22 =	simm.s32 $0x4  }
0xa: {  	s5 =	sand.u32 $0x1, s5;
	s7 =	sshll.u32 s2, $0x1;
	[smem:$0x7FF] =	sst s3  }
0xb: {  	s23 =	simm.s32 $0x0;
	s7 =	sor.u32 s5, s7;
	_ =	strace $0x80000047  }
0xc: {  	s5 =	ssub.s32 $0x2, s5;
	s8 =	sshll.u32 s7, $0x6;
	s7 =	smul.u32 $0x1900, s7  }
0xd: {  	s9 =	sshrl.u32 s5, $0x1;
	s8 =	sadd.s32 s8, s4;
	s4 =	sadd.s32 $0xC00, s4  }
0xe: {  	s9 =	ssub.s32 s5, s9;
	s5 =	sadd.s32 $0x400, s8;
	s6 =	sadd.s32 s6, s7  }
0xf: {  	s7 =	smax.u32 s9, $0x1;
	s8 =	simm.s32 $0x6;
	s9 =	simm.s32 $0xCA00  }
.LBB2_1:
0x10: {  	[tilespmem:s3], [sflag:$0x6] =	stream.linear.gather [hbm4b:s5+s3], $0x200, $0x38;
	[tilespmem:$0x12E00] =	vst v63  }
0x11: {  	_ =	swait.ge [sflag:s8], $0x200  }
0x12: {  	[sflag:s8] =	ssyncset.done $0x0  }
0x13: {  	[sflag:s8] =	ssyncadd.s32 $0xFFFFFE00  }
0x14: {  	[tilespmem:s9], [sflag:$0x5] =	stream.linear.gather [hbm4b:s4+s3], $0x6400, $0x38;
	[tilespmem:$0x12E00] =	vst v63  }
0x15: {  	_ = 	snop  }
0x16: {  	[tilespmem:s11], [sflag:$0x1] =	stream.indirect.gather [hbm4b:s1+s10], $0x80, s3, s10, $0xb8;
	[tilespmem:$0x12E00] =	vst v63  }
0x17: {  	_ = 	snop  }
0x18: {  	[tilespmem:s13], [sflag:$0x2] =	stream.indirect.gather [hbm4b:s1+s10], $0x80, s12, s10, $0xb8;
	[tilespmem:$0x12E00] =	vst v63  }
0x19: {  	_ = 	snop  }
0x1a: {  	[tilespmem:s15], [sflag:$0x3] =	stream.indirect.gather [hbm4b:s1+s10], $0x80, s14, s10, $0xb8;
	[tilespmem:$0x12E00] =	vst v63  }
0x1b: {  	_ = 	snop  }
0x1c: {  	[tilespmem:s17], [sflag:$0x4] =	stream.indirect.gather [hbm4b:s1+s10], $0x80, s16, s10, $0xb8;
	[tilespmem:$0x12E00] =	vst v63  }
0x1d: {  	_ =	swait.ge [sflag:s18], $0x6400  }
0x1e: {  	[sflag:s18] =	ssyncset.done $0x0  }
0x1f: {  	[sflag:s18] =	ssyncadd.s32 $0xFFFF9C00  }
0x20: {  	_ =	swait.ge [sflag:s19], $0x3200  }
0x21: {  	[sflag:s19] =	ssyncset.done $0x0  }
0x22: {  	s24 =	simm.s32 $0x0;
	[sflag:s19] =	ssyncadd.s32 $0xFFFFCE00  }
0x23: {  	v0 =	vld [tilespmem:s24+$0x270]  }
0x24: {  	v1 =	vld [tilespmem:s24+$0x200]  }
0x25: {  	v2 =	vld [tilespmem:s24+$0xCA70]  }
0x26: {  	v3 =	vld [tilespmem:s24+$0x210]  }
0x27: {  	v4 =	vld [tilespmem:s24+$0x220]  }
0x28: {  	v7 =	vld [tilespmem:s24+$0x230]  }
0x29: {  	v9 =	vld [tilespmem:s24+$0x240]  }
0x2a: {  	v11 =	vld [tilespmem:s24+$0x250]  }
0x2b: {  	v12 =	vld [tilespmem:s24+$0x260];
	v0 =	vmul.f32 $1.131370830e+01, v0  }
0x2c: {  	v10 =	vld [tilespmem:s24+$0xCA00]  }
0x2d: {  	v13 =	vld [tilespmem:s24+$0xCA10];
	v0 =	vadd.f32 v2, v0  }
0x2e: {  	v8 =	vld [tilespmem:s24+$0xCA20]  }
0x2f: {  	v6 =	vld [tilespmem:s24+$0xCA30];
	[tilespmem:s24+$0x270] =	vst v0;
	v0 =	vmul.f32 $1.131370830e+01, v1  }
0x30: {  	v14 =	vmul.f32 $1.131370830e+01, v3;
	v5 =	vmul.f32 $1.131370830e+01, v4;
	v4 =	vld [tilespmem:s24+$0xCA40]  }
0x31: {  	v3 =	vmul.f32 $1.131370830e+01, v7;
	v7 =	vld [tilespmem:s24+$0xCA50];
	v2 =	vmul.f32 $1.131370830e+01, v9;
	v10 =	vadd.f32 v10, v0  }
0x32: {  	s25 =	simm.s32 $0x80;
	s26 =	simm.s32 $0x400;
	v9 =	vld [tilespmem:s24+$0xCA60];
	v1 =	vmul.f32 $1.131370830e+01, v11;
	v11 =	vadd.f32 v13, v14;
	v0 =	vmul.f32 $1.131370830e+01, v12  }
.LBB2_2:
0x33: {  	p0 =	sne.s32 s26, $0xC600;
	v12 =	vld [tilespmem:s25+$0x270];
	[tilespmem:s24+$0x200] =	vst v10;
	v5 =	vadd.f32 v8, v5  }
0x34: {  	v8 =	vld [tilespmem:s25+$0x200];
	[tilespmem:s24+$0x210] =	vst v11;
	v3 =	vadd.f32 v6, v3  }
0x35: {  	v6 =	vld [tilespmem:s25+$0xCA70];
	[tilespmem:s24+$0x220] =	vst v5;
	v2 =	vadd.f32 v4, v2  }
0x36: {  	v4 =	vld [tilespmem:s25+$0x210];
	[tilespmem:s24+$0x230] =	vst v3;
	v1 =	vadd.f32 v7, v1  }
0x37: {  	v3 =	vld [tilespmem:s25+$0x220];
	[tilespmem:s24+$0x240] =	vst v2;
	v0 =	vadd.f32 v9, v0  }
0x38: {  	v2 =	vld [tilespmem:s25+$0x230];
	v5 =	vmul.f32 $1.131370830e+01, v12;
	[tilespmem:s24+$0x250] =	vst v1  }
0x39: {  	v7 =	vmul.f32 $1.131370830e+01, v8;
	v1 =	vld [tilespmem:s25+$0x240];
	[tilespmem:s24+$0x260] =	vst v0;
	s24 =	smov.u32 s25  }
0x3a: {  	v0 =	vld [tilespmem:s24+$0x250];
	v6 =	vadd.f32 v6, v5  }
0x3b: {  	v9 =	vmul.f32 $1.131370830e+01, v4;
	v10 =	vld [tilespmem:s24+$0x260]  }
0x3c: {  	v11 =	vld [tilespmem:s24+$0xCA00];
	v5 =	vmul.f32 $1.131370830e+01, v3;
	[tilespmem:s24+$0x270] =	vst v6  }
0x3d: {  	v12 =	vld [tilespmem:s24+$0xCA10];
	v3 =	vmul.f32 $1.131370830e+01, v2  }
.Ltmp0:
0x3e: {  	v8 =	vld [tilespmem:s24+$0xCA20];
	v2 =	vmul.f32 $1.131370830e+01, v1;
	(pc) =	sbr.rel @p0 .LBB2_2-.Ltmp0, $4  }
0x3f: {  	v6 =	vld [tilespmem:s24+$0xCA30];
	v1 =	vmul.f32 $1.131370830e+01, v0  }
0x40: {  	v4 =	vld [tilespmem:s24+$0xCA40];
	v0 =	vmul.f32 $1.131370830e+01, v10  }
0x41: {  	v10 =	vadd.f32 v11, v7;
	v7 =	vld [tilespmem:s24+$0xCA50]  }
0x42: {  	s25 =	sshra.s32 s26, $0x2;
	s26 =	sadd.s32 $0x200, s26;
	v11 =	vadd.f32 v12, v9;
	v9 =	vld [tilespmem:s24+$0xCA60]  }
0x43: {  	v12 =	vld [tilespmem:s25+$0x270]  }
0x44: {  	v13 =	vld [tilespmem:s25+$0x200]  }
0x45: {  	v14 =	vld [tilespmem:s25+$0xCA70]  }
0x46: {  	v15 =	vld [tilespmem:s25+$0x210]  }
0x47: {  	v16 =	vld [tilespmem:s25+$0x220]  }
0x48: {  	v17 =	vld [tilespmem:s25+$0x230]  }
0x49: {  	v18 =	vld [tilespmem:s25+$0x240]  }
0x4a: {  	v19 =	vld [tilespmem:s25+$0x250]  }
0x4b: {  	v60 =	vld [tilespmem:s25+$0x260];
	[tilespmem:s24+$0x200] =	vst v10;
	v5 =	vadd.f32 v8, v5  }
0x4c: {  	v10 =	vld [tilespmem:s25+$0xCA00];
	[tilespmem:s24+$0x210] =	vst v11;
	v3 =	vadd.f32 v6, v3  }
0x4d: {  	v6 =	vld [tilespmem:s25+$0xCA10];
	[tilespmem:s24+$0x220] =	vst v5;
	v2 =	vadd.f32 v4, v2  }
0x4e: {  	v4 =	vld [tilespmem:s25+$0xCA20];
	[tilespmem:s24+$0x230] =	vst v3;
	v1 =	vadd.f32 v7, v1;
	v12 =	vmul.f32 $1.131370830e+01, v12  }
0x4f: {  	v5 =	vld [tilespmem:s25+$0xCA30];
	[tilespmem:s24+$0x240] =	vst v2;
	v0 =	vadd.f32 v9, v0;
	v3 =	vmul.f32 $1.131370830e+01, v13  }
0x50: {  	v7 =	vld [tilespmem:s25+$0xCA40];
	v2 =	vmul.f32 $1.131370830e+01, v15;
	[tilespmem:s24+$0x250] =	vst v1;
	v12 =	vadd.f32 v14, v12  }
0x51: {  	v8 =	vld [tilespmem:s25+$0xCA50];
	v1 =	vmul.f32 $1.131370830e+01, v16;
	[tilespmem:s24+$0x260] =	vst v0;
	v3 =	vadd.f32 v10, v3  }
0x52: {  	v0 =	vmul.f32 $1.131370830e+01, v17;
	v2 =	vadd.f32 v6, v2;
	v6 =	vld [tilespmem:s25+$0xCA60];
	[tilespmem:s25+$0x270] =	vst v12  }
0x53: {  	v9 =	vmul.f32 $1.131370830e+01, v18;
	v1 =	vadd.f32 v4, v1;
	[tilespmem:s25+$0x200] =	vst v3  }
0x54: {  	v0 =	vadd.f32 v5, v0;
	v3 =	vmul.f32 $1.131370830e+01, v19;
	[tilespmem:s25+$0x210] =	vst v2  }
0x55: {  	v2 =	vmul.f32 $1.131370830e+01, v60;
	[tilespmem:s25+$0x220] =	vst v1;
	v1 =	vadd.f32 v7, v9  }
0x56: {  	[tilespmem:s25+$0x230] =	vst v0;
	v0 =	vadd.f32 v8, v3  }
0x57: {  	[tilespmem:s25+$0x240] =	vst v1;
	v1 =	vadd.f32 v6, v2  }
0x58: {  	[tilespmem:s25+$0x250] =	vst v0  }
0x59: {  	[tilespmem:s25+$0x260] =	vst v1  }
0x5a: {  	_ =	swait.ge [sflag:s20], $0x3200  }
0x5b: {  	[sflag:s20] =	ssyncset.done $0x0  }
0x5c: {  	s24 =	simm.s32 $0x0;
	[sflag:s20] =	ssyncadd.s32 $0xFFFFCE00  }
0x5d: {  	v0 =	vld [tilespmem:s24+$0x3470]  }
0x5e: {  	v1 =	vld [tilespmem:s24+$0x3400]  }
0x5f: {  	v2 =	vld [tilespmem:s24+$0xFC70]  }
0x60: {  	v3 =	vld [tilespmem:s24+$0x3410]  }
0x61: {  	v4 =	vld [tilespmem:s24+$0x3420]  }
0x62: {  	v5 =	vld [tilespmem:s24+$0x3430]  }
0x63: {  	v6 =	vld [tilespmem:s24+$0x3440]  }
0x64: {  	v9 =	vld [tilespmem:s24+$0x3450]  }
0x65: {  	v10 =	vld [tilespmem:s24+$0x3460]  }
0x66: {  	v11 =	vld [tilespmem:s24+$0xFC00]  }
0x67: {  	v61 =	vld [tilespmem:s24+$0xFC10];
	v0 =	vmul.f32 $1.131370830e+01, v0  }
0x68: {  	v8 =	vld [tilespmem:s24+$0xFC20]  }
0x69: {  	v7 =	vld [tilespmem:s24+$0xFC30];
	v62 =	vmul.f32 $1.131370830e+01, v1;
	v63 =	vmul.f32 $1.131370830e+01, v3;
	v0 =	vadd.f32 v2, v0  }
0x6a: {  	v4 =	vmul.f32 $1.131370830e+01, v4;
	v3 =	vmul.f32 $1.131370830e+01, v5;
	v5 =	vld [tilespmem:s24+$0xFC40]  }
0x6b: {  	v2 =	vmul.f32 $1.131370830e+01, v6;
	v6 =	vld [tilespmem:s24+$0xFC50];
	[tilespmem:s24+$0x3470] =	vst v0;
	v0 =	vmul.f32 $1.131370830e+01, v10;
	v10 =	vadd.f32 v11, v62  }
0x6c: {  	s26 =	simm.s32 $0x400;
	s25 =	simm.s32 $0x80;
	v1 =	vmul.f32 $1.131370830e+01, v9;
	v9 =	vld [tilespmem:s24+$0xFC60];
	v11 =	vadd.f32 v61, v63  }
.LBB2_4:
0x6d: {  	p0 =	sne.s32 s26, $0xC600;
	v12 =	vld [tilespmem:s25+$0x3470];
	[tilespmem:s24+$0x3400] =	vst v10;
	v4 =	vadd.f32 v8, v4  }
0x6e: {  	v8 =	vld [tilespmem:s25+$0x3400];
	[tilespmem:s24+$0x3410] =	vst v11;
	v3 =	vadd.f32 v7, v3  }
0x6f: {  	v7 =	vld [tilespmem:s25+$0xFC70];
	[tilespmem:s24+$0x3420] =	vst v4;
	v2 =	vadd.f32 v5, v2  }
0x70: {  	v4 =	vld [tilespmem:s25+$0x3410];
	[tilespmem:s24+$0x3430] =	vst v3;
	v1 =	vadd.f32 v6, v1  }
0x71: {  	v3 =	vld [tilespmem:s25+$0x3420];
	[tilespmem:s24+$0x3440] =	vst v2;
	v0 =	vadd.f32 v9, v0  }
0x72: {  	v2 =	vld [tilespmem:s25+$0x3430];
	v5 =	vmul.f32 $1.131370830e+01, v12;
	[tilespmem:s24+$0x3450] =	vst v1  }
0x73: {  	v6 =	vmul.f32 $1.131370830e+01, v8;
	v1 =	vld [tilespmem:s25+$0x3440];
	[tilespmem:s24+$0x3460] =	vst v0;
	s24 =	smov.u32 s25  }
0x74: {  	v0 =	vld [tilespmem:s24+$0x3450];
	v5 =	vadd.f32 v7, v5  }
0x75: {  	v9 =	vmul.f32 $1.131370830e+01, v4;
	v10 =	vld [tilespmem:s24+$0x3460]  }
0x76: {  	v11 =	vld [tilespmem:s24+$0xFC00];
	v4 =	vmul.f32 $1.131370830e+01, v3;
	[tilespmem:s24+$0x3470] =	vst v5  }
0x77: {  	v12 =	vld [tilespmem:s24+$0xFC10];
	v3 =	vmul.f32 $1.131370830e+01, v2  }
.Ltmp1:
0x78: {  	v8 =	vld [tilespmem:s24+$0xFC20];
	v2 =	vmul.f32 $1.131370830e+01, v1;
	(pc) =	sbr.rel @p0 .LBB2_4-.Ltmp1, $4  }
0x79: {  	v7 =	vld [tilespmem:s24+$0xFC30];
	v1 =	vmul.f32 $1.131370830e+01, v0  }
0x7a: {  	v5 =	vld [tilespmem:s24+$0xFC40];
	v0 =	vmul.f32 $1.131370830e+01, v10  }
0x7b: {  	v10 =	vadd.f32 v11, v6;
	v6 =	vld [tilespmem:s24+$0xFC50]  }
0x7c: {  	s25 =	sshra.s32 s26, $0x2;
	s26 =	sadd.s32 $0x200, s26;
	v11 =	vadd.f32 v12, v9;
	v9 =	vld [tilespmem:s24+$0xFC60]  }
0x7d: {  	v12 =	vld [tilespmem:s25+$0x3470]  }
0x7e: {  	v13 =	vld [tilespmem:s25+$0x3400]  }
0x7f: {  	v14 =	vld [tilespmem:s25+$0xFC70]  }
0x80: {  	v15 =	vld [tilespmem:s25+$0x3410]  }
0x81: {  	v16 =	vld [tilespmem:s25+$0x3420]  }
0x82: {  	v17 =	vld [tilespmem:s25+$0x3430]  }
0x83: {  	v18 =	vld [tilespmem:s25+$0x3440]  }
0x84: {  	v19 =	vld [tilespmem:s25+$0x3450]  }
0x85: {  	v60 =	vld [tilespmem:s25+$0x3460];
	[tilespmem:s24+$0x3400] =	vst v10;
	v4 =	vadd.f32 v8, v4  }
0x86: {  	v10 =	vld [tilespmem:s25+$0xFC00];
	[tilespmem:s24+$0x3410] =	vst v11;
	v3 =	vadd.f32 v7, v3  }
0x87: {  	v7 =	vld [tilespmem:s25+$0xFC10];
	[tilespmem:s24+$0x3420] =	vst v4;
	v2 =	vadd.f32 v5, v2  }
0x88: {  	v4 =	vld [tilespmem:s25+$0xFC20];
	[tilespmem:s24+$0x3430] =	vst v3;
	v1 =	vadd.f32 v6, v1;
	v12 =	vmul.f32 $1.131370830e+01, v12  }
0x89: {  	v5 =	vld [tilespmem:s25+$0xFC30];
	[tilespmem:s24+$0x3440] =	vst v2;
	v0 =	vadd.f32 v9, v0;
	v3 =	vmul.f32 $1.131370830e+01, v13  }
0x8a: {  	v6 =	vld [tilespmem:s25+$0xFC40];
	v2 =	vmul.f32 $1.131370830e+01, v15;
	[tilespmem:s24+$0x3450] =	vst v1;
	v12 =	vadd.f32 v14, v12  }
0x8b: {  	v8 =	vld [tilespmem:s25+$0xFC50];
	v1 =	vmul.f32 $1.131370830e+01, v16;
	[tilespmem:s24+$0x3460] =	vst v0;
	v3 =	vadd.f32 v10, v3  }
0x8c: {  	v0 =	vmul.f32 $1.131370830e+01, v17;
	v2 =	vadd.f32 v7, v2;
	v7 =	vld [tilespmem:s25+$0xFC60];
	[tilespmem:s25+$0x3470] =	vst v12  }
0x8d: {  	v9 =	vmul.f32 $1.131370830e+01, v18;
	v1 =	vadd.f32 v4, v1;
	[tilespmem:s25+$0x3400] =	vst v3  }
0x8e: {  	v0 =	vadd.f32 v5, v0;
	v3 =	vmul.f32 $1.131370830e+01, v19;
	[tilespmem:s25+$0x3410] =	vst v2  }
0x8f: {  	v2 =	vmul.f32 $1.131370830e+01, v60;
	[tilespmem:s25+$0x3420] =	vst v1;
	v1 =	vadd.f32 v6, v9  }
0x90: {  	[tilespmem:s25+$0x3430] =	vst v0;
	v0 =	vadd.f32 v8, v3  }
0x91: {  	[tilespmem:s25+$0x3440] =	vst v1;
	v1 =	vadd.f32 v7, v2  }
0x92: {  	[tilespmem:s25+$0x3450] =	vst v0  }
0x93: {  	[tilespmem:s25+$0x3460] =	vst v1  }
0x94: {  	_ =	swait.ge [sflag:s21], $0x3200  }
0x95: {  	[sflag:s21] =	ssyncset.done $0x0  }
0x96: {  	s24 =	simm.s32 $0x0;
	[sflag:s21] =	ssyncadd.s32 $0xFFFFCE00  }
0x97: {  	v0 =	vld [tilespmem:s24+$0x6670]  }
0x98: {  	v1 =	vld [tilespmem:s24+$0x6600]  }
0x99: {  	v2 =	vld [tilespmem:s24+$0xCA70]  }
0x9a: {  	v3 =	vld [tilespmem:s24+$0x6610]  }
0x9b: {  	v4 =	vld [tilespmem:s24+$0x6620]  }
0x9c: {  	v5 =	vld [tilespmem:s24+$0x6630]  }
0x9d: {  	v6 =	vld [tilespmem:s24+$0x6640]  }
0x9e: {  	v9 =	vld [tilespmem:s24+$0x6650]  }
0x9f: {  	v10 =	vld [tilespmem:s24+$0x6660]  }
0xa0: {  	v11 =	vld [tilespmem:s24+$0xCA00]  }
0xa1: {  	v61 =	vld [tilespmem:s24+$0xCA10];
	v0 =	vmul.f32 $1.131370830e+01, v0  }
0xa2: {  	v8 =	vld [tilespmem:s24+$0xCA20]  }
0xa3: {  	v7 =	vld [tilespmem:s24+$0xCA30];
	v62 =	vmul.f32 $1.131370830e+01, v1;
	v63 =	vmul.f32 $1.131370830e+01, v3;
	v0 =	vadd.f32 v2, v0  }
0xa4: {  	v4 =	vmul.f32 $1.131370830e+01, v4;
	v3 =	vmul.f32 $1.131370830e+01, v5;
	v5 =	vld [tilespmem:s24+$0xCA40]  }
0xa5: {  	v2 =	vmul.f32 $1.131370830e+01, v6;
	v6 =	vld [tilespmem:s24+$0xCA50];
	[tilespmem:s24+$0x6670] =	vst v0;
	v0 =	vmul.f32 $1.131370830e+01, v10;
	v10 =	vadd.f32 v11, v62  }
0xa6: {  	s26 =	simm.s32 $0x400;
	s25 =	simm.s32 $0x80;
	v1 =	vmul.f32 $1.131370830e+01, v9;
	v9 =	vld [tilespmem:s24+$0xCA60];
	v11 =	vadd.f32 v61, v63  }
.LBB2_6:
0xa7: {  	p0 =	sne.s32 s26, $0xC600;
	v12 =	vld [tilespmem:s25+$0x6670];
	[tilespmem:s24+$0x6600] =	vst v10;
	v4 =	vadd.f32 v8, v4  }
0xa8: {  	v8 =	vld [tilespmem:s25+$0x6600];
	[tilespmem:s24+$0x6610] =	vst v11;
	v3 =	vadd.f32 v7, v3  }
0xa9: {  	v7 =	vld [tilespmem:s25+$0xCA70];
	[tilespmem:s24+$0x6620] =	vst v4;
	v2 =	vadd.f32 v5, v2  }
0xaa: {  	v4 =	vld [tilespmem:s25+$0x6610];
	[tilespmem:s24+$0x6630] =	vst v3;
	v1 =	vadd.f32 v6, v1  }
0xab: {  	v3 =	vld [tilespmem:s25+$0x6620];
	[tilespmem:s24+$0x6640] =	vst v2;
	v0 =	vadd.f32 v9, v0  }
0xac: {  	v2 =	vld [tilespmem:s25+$0x6630];
	v5 =	vmul.f32 $1.131370830e+01, v12;
	[tilespmem:s24+$0x6650] =	vst v1  }
0xad: {  	v6 =	vmul.f32 $1.131370830e+01, v8;
	v1 =	vld [tilespmem:s25+$0x6640];
	[tilespmem:s24+$0x6660] =	vst v0;
	s24 =	smov.u32 s25  }
0xae: {  	v0 =	vld [tilespmem:s24+$0x6650];
	v5 =	vadd.f32 v7, v5  }
0xaf: {  	v9 =	vmul.f32 $1.131370830e+01, v4;
	v10 =	vld [tilespmem:s24+$0x6660]  }
0xb0: {  	v11 =	vld [tilespmem:s24+$0xCA00];
	v4 =	vmul.f32 $1.131370830e+01, v3;
	[tilespmem:s24+$0x6670] =	vst v5  }
0xb1: {  	v12 =	vld [tilespmem:s24+$0xCA10];
	v3 =	vmul.f32 $1.131370830e+01, v2  }
.Ltmp2:
0xb2: {  	v8 =	vld [tilespmem:s24+$0xCA20];
	v2 =	vmul.f32 $1.131370830e+01, v1;
	(pc) =	sbr.rel @p0 .LBB2_6-.Ltmp2, $4  }
0xb3: {  	v7 =	vld [tilespmem:s24+$0xCA30];
	v1 =	vmul.f32 $1.131370830e+01, v0  }
0xb4: {  	v5 =	vld [tilespmem:s24+$0xCA40];
	v0 =	vmul.f32 $1.131370830e+01, v10  }
0xb5: {  	v10 =	vadd.f32 v11, v6;
	v6 =	vld [tilespmem:s24+$0xCA50]  }
0xb6: {  	s25 =	sshra.s32 s26, $0x2;
	s26 =	sadd.s32 $0x200, s26;
	v11 =	vadd.f32 v12, v9;
	v9 =	vld [tilespmem:s24+$0xCA60]  }
0xb7: {  	v12 =	vld [tilespmem:s25+$0x6670]  }
0xb8: {  	v13 =	vld [tilespmem:s25+$0x6600]  }
0xb9: {  	v14 =	vld [tilespmem:s25+$0xCA70]  }
0xba: {  	v15 =	vld [tilespmem:s25+$0x6610]  }
0xbb: {  	v16 =	vld [tilespmem:s25+$0x6620]  }
0xbc: {  	v17 =	vld [tilespmem:s25+$0x6630]  }
0xbd: {  	v18 =	vld [tilespmem:s25+$0x6640]  }
0xbe: {  	v19 =	vld [tilespmem:s25+$0x6650]  }
0xbf: {  	v60 =	vld [tilespmem:s25+$0x6660];
	[tilespmem:s24+$0x6600] =	vst v10;
	v4 =	vadd.f32 v8, v4  }
0xc0: {  	v10 =	vld [tilespmem:s25+$0xCA00];
	[tilespmem:s24+$0x6610] =	vst v11;
	v3 =	vadd.f32 v7, v3  }
0xc1: {  	v7 =	vld [tilespmem:s25+$0xCA10];
	[tilespmem:s24+$0x6620] =	vst v4;
	v2 =	vadd.f32 v5, v2  }
0xc2: {  	v4 =	vld [tilespmem:s25+$0xCA20];
	[tilespmem:s24+$0x6630] =	vst v3;
	v1 =	vadd.f32 v6, v1;
	v12 =	vmul.f32 $1.131370830e+01, v12  }
0xc3: {  	v5 =	vld [tilespmem:s25+$0xCA30];
	[tilespmem:s24+$0x6640] =	vst v2;
	v0 =	vadd.f32 v9, v0;
	v3 =	vmul.f32 $1.131370830e+01, v13  }
0xc4: {  	v6 =	vld [tilespmem:s25+$0xCA40];
	v2 =	vmul.f32 $1.131370830e+01, v15;
	[tilespmem:s24+$0x6650] =	vst v1;
	v12 =	vadd.f32 v14, v12  }
0xc5: {  	v8 =	vld [tilespmem:s25+$0xCA50];
	v1 =	vmul.f32 $1.131370830e+01, v16;
	[tilespmem:s24+$0x6660] =	vst v0;
	v3 =	vadd.f32 v10, v3  }
0xc6: {  	v0 =	vmul.f32 $1.131370830e+01, v17;
	v2 =	vadd.f32 v7, v2;
	v7 =	vld [tilespmem:s25+$0xCA60];
	[tilespmem:s25+$0x6670] =	vst v12  }
0xc7: {  	v9 =	vmul.f32 $1.131370830e+01, v18;
	v1 =	vadd.f32 v4, v1;
	[tilespmem:s25+$0x6600] =	vst v3  }
0xc8: {  	v0 =	vadd.f32 v5, v0;
	v3 =	vmul.f32 $1.131370830e+01, v19;
	[tilespmem:s25+$0x6610] =	vst v2  }
0xc9: {  	v2 =	vmul.f32 $1.131370830e+01, v60;
	[tilespmem:s25+$0x6620] =	vst v1;
	v1 =	vadd.f32 v6, v9  }
0xca: {  	[tilespmem:s25+$0x6630] =	vst v0;
	v0 =	vadd.f32 v8, v3  }
0xcb: {  	[tilespmem:s25+$0x6640] =	vst v1;
	v1 =	vadd.f32 v7, v2  }
0xcc: {  	[tilespmem:s25+$0x6650] =	vst v0  }
0xcd: {  	[tilespmem:s25+$0x6660] =	vst v1  }
0xce: {  	_ =	swait.ge [sflag:s22], $0x3200  }
0xcf: {  	[sflag:s22] =	ssyncset.done $0x0  }
0xd0: {  	s24 =	simm.s32 $0x0;
	[sflag:s22] =	ssyncadd.s32 $0xFFFFCE00  }
0xd1: {  	v0 =	vld [tilespmem:s24+$0x9870]  }
0xd2: {  	v1 =	vld [tilespmem:s24+$0x9800]  }
0xd3: {  	v2 =	vld [tilespmem:s24+$0xFC70]  }
0xd4: {  	v3 =	vld [tilespmem:s24+$0x9810]  }
0xd5: {  	v4 =	vld [tilespmem:s24+$0x9820]  }
0xd6: {  	v5 =	vld [tilespmem:s24+$0x9830]  }
0xd7: {  	v6 =	vld [tilespmem:s24+$0x9840]  }
0xd8: {  	v9 =	vld [tilespmem:s24+$0x9850]  }
0xd9: {  	v10 =	vld [tilespmem:s24+$0x9860]  }
0xda: {  	v11 =	vld [tilespmem:s24+$0xFC00]  }
0xdb: {  	v61 =	vld [tilespmem:s24+$0xFC10];
	v0 =	vmul.f32 $1.131370830e+01, v0  }
0xdc: {  	v8 =	vld [tilespmem:s24+$0xFC20]  }
0xdd: {  	v7 =	vld [tilespmem:s24+$0xFC30];
	v62 =	vmul.f32 $1.131370830e+01, v1;
	v63 =	vmul.f32 $1.131370830e+01, v3;
	v0 =	vadd.f32 v2, v0  }
0xde: {  	v4 =	vmul.f32 $1.131370830e+01, v4;
	v3 =	vmul.f32 $1.131370830e+01, v5;
	v5 =	vld [tilespmem:s24+$0xFC40]  }
0xdf: {  	v2 =	vmul.f32 $1.131370830e+01, v6;
	v6 =	vld [tilespmem:s24+$0xFC50];
	[tilespmem:s24+$0x9870] =	vst v0;
	v0 =	vmul.f32 $1.131370830e+01, v10;
	v10 =	vadd.f32 v11, v62  }
0xe0: {  	s26 =	simm.s32 $0x400;
	s25 =	simm.s32 $0x80;
	v1 =	vmul.f32 $1.131370830e+01, v9;
	v9 =	vld [tilespmem:s24+$0xFC60];
	v11 =	vadd.f32 v61, v63  }
.LBB2_8:
0xe1: {  	p0 =	sne.s32 s26, $0xC600;
	v12 =	vld [tilespmem:s25+$0x9870];
	[tilespmem:s24+$0x9800] =	vst v10;
	v4 =	vadd.f32 v8, v4  }
0xe2: {  	v8 =	vld [tilespmem:s25+$0x9800];
	[tilespmem:s24+$0x9810] =	vst v11;
	v3 =	vadd.f32 v7, v3  }
0xe3: {  	v7 =	vld [tilespmem:s25+$0xFC70];
	[tilespmem:s24+$0x9820] =	vst v4;
	v2 =	vadd.f32 v5, v2  }
0xe4: {  	v4 =	vld [tilespmem:s25+$0x9810];
	[tilespmem:s24+$0x9830] =	vst v3;
	v1 =	vadd.f32 v6, v1  }
0xe5: {  	v3 =	vld [tilespmem:s25+$0x9820];
	[tilespmem:s24+$0x9840] =	vst v2;
	v0 =	vadd.f32 v9, v0  }
0xe6: {  	v2 =	vld [tilespmem:s25+$0x9830];
	v5 =	vmul.f32 $1.131370830e+01, v12;
	[tilespmem:s24+$0x9850] =	vst v1  }
0xe7: {  	v6 =	vmul.f32 $1.131370830e+01, v8;
	v1 =	vld [tilespmem:s25+$0x9840];
	[tilespmem:s24+$0x9860] =	vst v0;
	s24 =	smov.u32 s25  }
0xe8: {  	v0 =	vld [tilespmem:s24+$0x9850];
	v5 =	vadd.f32 v7, v5  }
0xe9: {  	v9 =	vmul.f32 $1.131370830e+01, v4;
	v10 =	vld [tilespmem:s24+$0x9860]  }
0xea: {  	v11 =	vld [tilespmem:s24+$0xFC00];
	v4 =	vmul.f32 $1.131370830e+01, v3;
	[tilespmem:s24+$0x9870] =	vst v5  }
0xeb: {  	v12 =	vld [tilespmem:s24+$0xFC10];
	v3 =	vmul.f32 $1.131370830e+01, v2  }
.Ltmp3:
0xec: {  	v8 =	vld [tilespmem:s24+$0xFC20];
	v2 =	vmul.f32 $1.131370830e+01, v1;
	(pc) =	sbr.rel @p0 .LBB2_8-.Ltmp3, $4  }
0xed: {  	v7 =	vld [tilespmem:s24+$0xFC30];
	v1 =	vmul.f32 $1.131370830e+01, v0  }
0xee: {  	v5 =	vld [tilespmem:s24+$0xFC40];
	v0 =	vmul.f32 $1.131370830e+01, v10  }
0xef: {  	v10 =	vadd.f32 v11, v6;
	v6 =	vld [tilespmem:s24+$0xFC50]  }
0xf0: {  	s25 =	sshra.s32 s26, $0x2;
	s26 =	sadd.s32 $0x200, s26;
	v11 =	vadd.f32 v12, v9;
	v9 =	vld [tilespmem:s24+$0xFC60]  }
0xf1: {  	v12 =	vld [tilespmem:s25+$0x9870]  }
0xf2: {  	v13 =	vld [tilespmem:s25+$0x9800]  }
0xf3: {  	v14 =	vld [tilespmem:s25+$0xFC70]  }
0xf4: {  	v15 =	vld [tilespmem:s25+$0x9810]  }
0xf5: {  	v16 =	vld [tilespmem:s25+$0x9820]  }
0xf6: {  	v17 =	vld [tilespmem:s25+$0x9830]  }
0xf7: {  	v18 =	vld [tilespmem:s25+$0x9840]  }
0xf8: {  	v19 =	vld [tilespmem:s25+$0x9850]  }
0xf9: {  	v46 =	vld [tilespmem:s25+$0x9860];
	[tilespmem:s24+$0x9800] =	vst v10;
	v4 =	vadd.f32 v8, v4  }
0xfa: {  	v47 =	vld [tilespmem:s25+$0xFC00];
	[tilespmem:s24+$0x9810] =	vst v11;
	v3 =	vadd.f32 v7, v3  }
0xfb: {  	v48 =	vld [tilespmem:s25+$0xFC10];
	[tilespmem:s24+$0x9820] =	vst v4;
	v2 =	vadd.f32 v5, v2  }
0xfc: {  	v49 =	vld [tilespmem:s25+$0xFC20];
	[tilespmem:s24+$0x9830] =	vst v3;
	v1 =	vadd.f32 v6, v1;
	v12 =	vmul.f32 $1.131370830e+01, v12  }
0xfd: {  	v51 =	vld [tilespmem:s25+$0xFC30];
	[tilespmem:s24+$0x9840] =	vst v2;
	v0 =	vadd.f32 v9, v0;
	v50 =	vmul.f32 $1.131370830e+01, v13  }
0xfe: {  	v53 =	vld [tilespmem:s25+$0xFC40];
	v52 =	vmul.f32 $1.131370830e+01, v15;
	[tilespmem:s24+$0x9850] =	vst v1;
	v12 =	vadd.f32 v14, v12  }
0xff: {  	v55 =	vld [tilespmem:s25+$0xFC50];
	v54 =	vmul.f32 $1.131370830e+01, v16;
	[tilespmem:s24+$0x9860] =	vst v0;
	v3 =	vadd.f32 v47, v50  }
0x100: {  	v57 =	vld [tilespmem:s25+$0xFC60];
	v56 =	vmul.f32 $1.131370830e+01, v17;
	v2 =	vadd.f32 v48, v52;
	[tilespmem:s25+$0x9870] =	vst v12  }
0x101: {  	v58 =	vmul.f32 $1.131370830e+01, v18;
	v1 =	vadd.f32 v49, v54;
	[tilespmem:s25+$0x9800] =	vst v3  }
0x102: {  	v59 =	vmul.f32 $1.131370830e+01, v19;
	v0 =	vadd.f32 v51, v56;
	[tilespmem:s25+$0x9810] =	vst v2  }
0x103: {  	v60 =	vmul.f32 $1.131370830e+01, v46;
	v61 =	vadd.f32 v53, v58;
	[tilespmem:s25+$0x9820] =	vst v1  }
0x104: {  	v62 =	vadd.f32 v55, v59;
	[tilespmem:s25+$0x9830] =	vst v0  }
0x105: {  	s23 =	sadd.s32 $0x1, s23;
	v63 =	vadd.f32 v57, v60;
	[tilespmem:s25+$0x9840] =	vst v61  }
0x106: {  	p0 =	sne.s32 s23, s7;
	[tilespmem:s25+$0x9850] =	vst v62  }
.Ltmp4:
0x107: {  	[tilespmem:s25+$0x9860] =	vst v63;
	(pc) =	sbr.rel @p0 .LBB2_1-.Ltmp4, $4  }
0x108: {  	[hbm4b:s6+s3] =	stream.linear.scatter [tilespmem:s11], [sflag:$0x6], $0xC800, $0x38;
	[tilespmem:$0x12E00] =	vst v63  }
0x109: {  	_ =	swait.ge [sflag:s8], $0xC800  }
0x10a: {  	[sflag:s8] =	ssyncset.done $0x0  }
0x10b: {  	[sflag:s8] =	ssyncadd.s32 $0xFFFF3800  }
0x10c: {  	_ =	sfence.sel $0x180000  }
0x10d: {  	[bflag:$0x0] =	sbarrier.arrive $0xFFFF  }
0x10e: {  	p0 =	sne.s32 s2, $0x0;
	_ =	strace $0x90000047  }
0x10f: {  	s0 =	sadd.s32 @!p0 $0x100000, s0;
	[bflag:$0x2] =	sbarrier.arrive $0xFFFF  }
0x110: {  	[sflag:s0] =	ssyncadd.tile.s32 @!p0 $0x1;
	_ =	shalt  }
.Lfunc_end2:
_tile_overlayer_lowered:
.L_overlay_start_2:
0x111: {  	(tag) =	ssettag $0x2  }
0x112: {  	s0 =	rddreg [dreg:$0x0];
	s2 =	stileid.u32  }
0x113: {  	s1 =	rddreg [dreg:$0x1];
	p0 =	sne.s32 s2, $0x0  }
0x114: {  	s3 =	rddreg [dreg:$0x2];
	[bflag:$0x3] =	sbarrier.arrive $0xFFFF;
	s2 =	simm.s32 @!p0 $0x1C06  }
0x115: {  	[timem:s3], [sflag:s2] =	dma.local @!p0 [hbm:s0], s1  }
0x116: {  	s0 =	simm.s32 @!p0 $0x6  }
0x117: {  	_ =	swait.ge @!p0 [sflag:s0], s1  }
0x118: {  	s1 =	ssub.s32 @!p0 $0x0, s1;
	[sflag:s0] =	ssyncset.done @!p0 $0x0  }
0x119: {  	[sflag:s0] =	ssyncadd.s32 @!p0 s1  }
0x11a: {  	[bflag:$0x3] =	sbarrier.arrive $0xFFFF  }
0x11b: {  	_ =	shalt  }

</sc_bundles>
